<compile_context>
chip_gen: v7x
topology: tpu7x:2x2x1
jax: 0.10.2.dev20260603
libtpu: 0.0.44.dev20260713+nightly
codegen_flags: <defaults>
</compile_context>

<pallas_src>
import functools

import jax
import jax.numpy as jnp
from jax import lax
from jax.experimental import pallas as pl
from jax.experimental.pallas import tpu as pltpu
from jax.experimental.pallas import tpu_sc as plsc

B = 4096
F_NUM = 13
N_CAT = 26
VOCAB = 100000
E = 32
P = 32
OUT = P + N_CAT * E

NC = 2
NS = 16
NW = NC * NS
BPW = B // NW

NG = 4
NUNITS = N_CAT * NG
BLK = 4096
NFULL = 24
LASTW = 1664
TAILBASE = NFULL * BLK + LASTW
TAILW = VOCAB - TAILBASE
NBOUND = 64

def _sc_encoder(rs, bs, st, tail, numeric_flat, tabT, W, b):
    mesh = plsc.VectorSubcoreMesh(core_axis_name="c", subcore_axis_name="s")

    @functools.partial(
        pl.kernel,
        out_type=(
            jax.ShapeDtypeStruct((N_CAT * E, B), jnp.float32),
            jax.ShapeDtypeStruct((B, P), jnp.float32),
        ),
        scratch_types=[
            pltpu.VMEM((B,), jnp.int32),
            pltpu.VMEM((B,), jnp.int32),
            pltpu.VMEM((NBOUND,), jnp.int32),
            pltpu.VMEM((8, TAILW), jnp.float32),
            pltpu.VMEM((8, BLK), jnp.float32),
            pltpu.VMEM((8, BLK), jnp.float32),
            pltpu.VMEM((8, B), jnp.float32),
            pltpu.VMEM((BPW * F_NUM + 16,), jnp.float32),
            pltpu.VMEM((F_NUM, P), jnp.float32),
            pltpu.VMEM((P,), jnp.float32),
            pltpu.VMEM((BPW, P), jnp.float32),
            pltpu.SemaphoreType.DMA,
            pltpu.SemaphoreType.DMA,
        ],
        mesh=mesh,
        compiler_params=pltpu.CompilerParams(needs_layout_passes=False),
    )
    def enc(rs_hbm, bs_hbm, st_hbm, tail_hbm, num_hbm, tab_hbm, w_hbm, b_hbm,
            embs_hbm, proj_hbm,
            rs_v, bs_v, st_v, tail_v, bufa_v, bufb_v, ob_v,
            num_v, w_v, b_v, proj_v, sem_a, sem_b):
        wid = lax.axis_index("s") * NC + lax.axis_index("c")
        base = wid * BPW
        IOTA16 = lax.iota(jnp.int32, 16)

        pltpu.sync_copy(num_hbm.at[pl.ds(base * F_NUM, BPW * F_NUM)],
                        num_v.at[pl.ds(0, BPW * F_NUM)])
        pltpu.sync_copy(w_hbm, w_v)
        pltpu.sync_copy(b_hbm, b_v)
        w_lo = [w_v[k, pl.ds(0, 16)] for k in range(F_NUM)]
        w_hi = [w_v[k, pl.ds(16, 16)] for k in range(F_NUM)]
        b_lo = b_v[pl.ds(0, 16)]
        b_hi = b_v[pl.ds(16, 16)]

        def prow(j, carry):
            v = num_v[pl.ds(j * F_NUM, 16)]
            a0 = b_lo
            a1 = b_hi
            for k in range(F_NUM):
                x = v[k]
                a0 = a0 + x * w_lo[k]
                a1 = a1 + x * w_hi[k]
            proj_v[j, pl.ds(0, 16)] = a0
            proj_v[j, pl.ds(16, 16)] = a1
            return carry
        lax.fori_loop(0, BPW, prow, 0)
        pltpu.sync_copy(proj_v, proj_hbm.at[pl.ds(base, BPW)])

        def do_unit(u):
            f = u // NG
            g = u - f * NG
            g8 = pl.multiple_of(g * 8, 8)

            pltpu.sync_copy(rs_hbm.at[pl.ds(f * B, B)], rs_v)
            pltpu.sync_copy(bs_hbm.at[pl.ds(f * B, B)], bs_v)
            pltpu.sync_copy(st_hbm.at[pl.ds(f * NBOUND, NBOUND)], st_v)
            pltpu.sync_copy(
                tail_hbm.at[pl.ds(pl.multiple_of((f * NG + g) * 8, 8), 8), :],
                tail_v)

            def fire(blk, buf_ref, sem):
                start = pl.multiple_of(blk * BLK, 128)
                return pltpu.async_copy(
                    tab_hbm.at[f, pl.ds(g8, 8), pl.ds(start, BLK)],
                    buf_ref, sem)

            def drain(buf_ref, sem):
                pltpu.make_async_copy(
                    tab_hbm.at[0, pl.ds(0, 8), pl.ds(0, BLK)],
                    buf_ref, sem).wait()

            def matches(blk, src_ref, src_w, rbase):
                pair = plsc.load_gather(
                    st_v, [jnp.minimum(blk + IOTA16, NBOUND - 1)])
                m0 = pair[0]
                m1 = pair[1]

                def grp(gi, carry):
                    mi = m0 + gi * 16 + IOTA16
                    msk = mi < m1
                    mic = jnp.minimum(mi, B - 1)
                    r16 = plsc.load_gather(rs_v, [mic]) - rbase
                    rl = jnp.clip(r16, 0, src_w - 1)
                    b16 = plsc.load_gather(bs_v, [mic])
                    for e in range(8):
                        ev = jnp.full((16,), e, dtype=jnp.int32)
                        v = plsc.load_gather(src_ref, [ev, rl])
                        plsc.store_scatter(ob_v, [ev, b16], v, mask=msk)
                    return carry
                lax.fori_loop(0, (m1 - m0 + 15) // 16, grp, 0)

            fire(0, bufa_v, sem_a)

            def pairloop(t, carry):
                blk0 = 2 * t
                fire(blk0 + 1, bufb_v, sem_b)
                drain(bufa_v, sem_a)
                matches(blk0, bufa_v, BLK, blk0 * BLK)

                @pl.when(t < NFULL // 2 - 1)
                def _():
                    fire(blk0 + 2, bufa_v, sem_a)

                drain(bufb_v, sem_b)
                matches(blk0 + 1, bufb_v, BLK, (blk0 + 1) * BLK)
                return carry
            lax.fori_loop(0, NFULL // 2, pairloop, 0)

            pltpu.async_copy(
                tab_hbm.at[f, pl.ds(g8, 8),
                           pl.ds(pl.multiple_of(NFULL * BLK, 128), LASTW)],
                bufa_v.at[pl.ds(0, 8), pl.ds(0, LASTW)], sem_a).wait()
            matches(jnp.int32(NFULL), bufa_v, LASTW, NFULL * BLK)

            matches(jnp.int32(NFULL + 1), tail_v, TAILW, TAILBASE)

            erow = pl.multiple_of(f * E + g * 8, 8)
            pltpu.sync_copy(ob_v, embs_hbm.at[pl.ds(erow, 8)])

        def uloop(j, carry):
            u = wid + j * NW

            @pl.when(u < NUNITS)
            def _():
                do_unit(u)
            return carry
        lax.fori_loop(0, 4, uloop, 0)

    return enc(rs, bs, st, tail, numeric_flat, tabT, W, b)


def kernel(numeric, idx, table, W, b):
    idx = idx.astype(jnp.int32)
    key = (idx << 12) | jnp.arange(B, dtype=jnp.int32)[None, :]
    ks = jnp.sort(key, axis=1)
    rs = ks >> 12
    bs = ks & (B - 1)
    bounds = jnp.concatenate([
        jnp.arange(0, (NFULL + 1) * BLK, BLK, dtype=jnp.int32),
        jnp.array([TAILBASE, VOCAB], dtype=jnp.int32),
        jnp.full((NBOUND - NFULL - 3,), VOCAB, dtype=jnp.int32),
    ])
    st = jnp.sum(idx[:, :, None] < bounds[None, None, :],
                 axis=1, dtype=jnp.int32)
    tail = table[:, TAILBASE:, :].transpose(0, 2, 1).reshape(
        N_CAT, NG, 8, TAILW)
    tabT = table.transpose(0, 2, 1)
    embsT, proj = _sc_encoder(
        rs.reshape(-1), bs.reshape(-1), st.reshape(-1),
        tail.reshape(N_CAT * NG * 8, TAILW),
        numeric.reshape(-1), tabT, W, b)
    return jnp.concatenate([proj, embsT.T], axis=1)

# --- scband reference (transcript-rebuilt; emitter-appended) ---
"""Pipeline reference for scband-feature-encoder-89249420410952 (READ-ONLY COPY).

The authoritative reference and input builder live on the scoring server;
editing this copy changes nothing except your own understanding.
"""

import jax, jax.numpy as jnp
import numpy as np

B = 4096
F_NUM = 13
N_CAT = 26
VOCAB = 100000
E = 32
P = 32


def setup_inputs(seed: int = 0) -> dict:
    key = jax.random.key(seed)
    k0, k1, k2, k3 = jax.random.split(key, 4)
    numeric = jax.random.normal(k0, (B, F_NUM), dtype=jnp.float32)
    # stacked categorical indices, one row per field (c0..c25)
    idx = jax.random.randint(k1, (N_CAT, B), 0, VOCAB)
    # stacked embedding tables, one per categorical field
    table = jax.random.normal(k2, (N_CAT, VOCAB, E), dtype=jnp.float32) * 0.02
    W = jax.random.normal(k3, (F_NUM, P), dtype=jnp.float32) * 0.1
    b = jnp.zeros((P,), dtype=jnp.float32)
    return {"numeric": numeric, "idx": idx, "table": table, "W": W, "b": b}


def reference(numeric, idx, table, W, b):
    # numeric projection (nn.Linear)
    proj = numeric @ W + b  # [B, P]
    # per-field embedding lookups: table[f][idx[f]] for each categorical field
    embs = jax.vmap(lambda t, i: jnp.take(t, i, axis=0))(table, idx)  # [N_CAT, B, E]
    # concat along feature dim in field order (matches ModuleDict iteration order)
    embs = jnp.transpose(embs, (1, 0, 2)).reshape(numeric.shape[0], -1)  # [B, N_CAT*E]
    return jnp.concatenate([proj, embs], axis=-1)  # [B, P + N_CAT*E] = [4096, 864]

if __name__ == "__main__":
    import jax
    _d = setup_inputs()
    print(jax.jit(kernel)(*tuple(_d.values())))

</pallas_src>

<mosaic_0001>
#map = affine_map<(d0, d1) -> (0)>
#map1 = affine_map<(d0, d1) -> (0, 0)>
#map2 = affine_map<(d0, d1) -> (0, 0, 0)>
module attributes {stable_mosaic.version = 14 : i64} {
  func.func @enc(%arg0: i32, %arg1: i32, %arg2: memref<106496xi32, #tpu.memory_space<hbm>>, %arg3: memref<106496xi32, #tpu.memory_space<hbm>>, %arg4: memref<1664xi32, #tpu.memory_space<hbm>>, %arg5: memref<832x32xf32, #tpu.memory_space<hbm>>, %arg6: memref<53248xf32, #tpu.memory_space<hbm>>, %arg7: memref<26x32x100000xf32, #tpu.memory_space<hbm>>, %arg8: memref<13x32xf32, #tpu.memory_space<hbm>>, %arg9: memref<32xf32, #tpu.memory_space<hbm>>, %arg10: memref<832x4096xf32, #tpu.memory_space<hbm>>, %arg11: memref<4096x32xf32, #tpu.memory_space<hbm>>, %arg12: memref<4096xi32, #tpu.memory_space<vmem>>, %arg13: memref<4096xi32, #tpu.memory_space<vmem>>, %arg14: memref<64xi32, #tpu.memory_space<vmem>>, %arg15: memref<8x32xf32, #tpu.memory_space<vmem>>, %arg16: memref<8x4096xf32, #tpu.memory_space<vmem>>, %arg17: memref<8x4096xf32, #tpu.memory_space<vmem>>, %arg18: memref<8x4096xf32, #tpu.memory_space<vmem>>, %arg19: memref<1680xf32, #tpu.memory_space<vmem>>, %arg20: memref<13x32xf32, #tpu.memory_space<vmem>>, %arg21: memref<32xf32, #tpu.memory_space<vmem>>, %arg22: memref<128x32xf32, #tpu.memory_space<vmem>>, %arg23: memref<!tpu.dma_semaphore, #tpu.memory_space<semaphore_mem>>, %arg24: memref<!tpu.dma_semaphore, #tpu.memory_space<semaphore_mem>>) attributes {dimension_semantics = [#tpu.dimension_semantics<core_parallel>, #tpu.dimension_semantics<subcore_parallel>], iteration_bounds = array<i64: 2, 16>, scalar_prefetch = 0 : i64, scratch_operands = 13 : i64, tpu.core_type = #tpu.core_type<sc_vector_subcore>, window_params = [{transform_indices = #map}, {transform_indices = #map}, {transform_indices = #map}, {transform_indices = #map1}, {transform_indices = #map}, {transform_indices = #map2}, {transform_indices = #map1}, {transform_indices = #map}, {transform_indices = #map1}, {transform_indices = #map1}]} {
    %mul3A = arith.constant 2 : i32
    %mul3A_0 = arith.muli %arg1, %mul3A : i32
    %add3A = arith.addi %mul3A_0, %arg0 : i32
    %mul3A_1 = arith.constant 128 : i32
    %mul3A_2 = arith.muli %add3A, %mul3A_1 : i32
    %iota3A = tpu.iota {dimensions = array<i32: 0>} : vector<16xi32>
    %mul3A_3 = arith.constant 13 : i32
    %mul3A_4 = arith.muli %mul3A_2, %mul3A_3 : i32
    "tpu.region"() ({
      %run_scoped3A = tpu.sem_alloc : memref<!tpu.dma_semaphore, #tpu.memory_space<semaphore_mem>>
      %dma_start3A = arith.constant 0 : i32
      %dma_start3A_123 = tpu.memref_slice %arg19[%dma_start3A] : memref<1680xf32, #tpu.memory_space<vmem>> -> memref<1664xf32, #tpu.memory_space<vmem>>
      %dma_start3A_124 = tpu.memref_slice %arg6[%mul3A_4] : memref<53248xf32, #tpu.memory_space<hbm>> -> memref<1664xf32, #tpu.memory_space<hbm>>
      %dma_start3A_125 = arith.constant 0 : i32
      %dma_start3A_126 = tpu.memref_slice %arg19[%dma_start3A_125] : memref<1680xf32, #tpu.memory_space<vmem>> -> memref<1664xf32, #tpu.memory_space<vmem>>
      %dma_start3A_127 = tpu.memref_slice %arg6[%mul3A_4] : memref<53248xf32, #tpu.memory_space<hbm>> -> memref<1664xf32, #tpu.memory_space<hbm>>
      tpu.enqueue_dma source(%dma_start3A_127 : memref<1664xf32, #tpu.memory_space<hbm>>) target(%dma_start3A_126 : memref<1664xf32, #tpu.memory_space<vmem>>) target_semaphore(%run_scoped3A : memref<!tpu.dma_semaphore, #tpu.memory_space<semaphore_mem>>)
      %dma_wait3A = arith.constant 0 : i32
      %dma_wait3A_128 = tpu.memref_slice %arg19[%dma_wait3A] : memref<1680xf32, #tpu.memory_space<vmem>> -> memref<1664xf32, #tpu.memory_space<vmem>>
      %dma_wait3A_129 = tpu.memref_slice %arg6[%mul3A_4] : memref<53248xf32, #tpu.memory_space<hbm>> -> memref<1664xf32, #tpu.memory_space<hbm>>
      %dma_wait3A_130 = arith.constant 0 : i32
      %dma_wait3A_131 = tpu.memref_slice %arg19[%dma_wait3A_130] : memref<1680xf32, #tpu.memory_space<vmem>> -> memref<1664xf32, #tpu.memory_space<vmem>>
      %dma_wait3A_132 = tpu.memref_slice %arg6[%mul3A_4] : memref<53248xf32, #tpu.memory_space<hbm>> -> memref<1664xf32, #tpu.memory_space<hbm>>
      tpu.wait_dma2 semaphore(%run_scoped3A : memref<!tpu.dma_semaphore, #tpu.memory_space<semaphore_mem>>) src(%dma_wait3A_132 : memref<1664xf32, #tpu.memory_space<hbm>>) dst(%dma_wait3A_131 : memref<1664xf32, #tpu.memory_space<vmem>>)
      tpu.yield
    }) : () -> ()
    "tpu.region"() ({
      %run_scoped3A = tpu.sem_alloc : memref<!tpu.dma_semaphore, #tpu.memory_space<semaphore_mem>>
      tpu.enqueue_dma source(%arg8 : memref<13x32xf32, #tpu.memory_space<hbm>>) target(%arg20 : memref<13x32xf32, #tpu.memory_space<vmem>>) target_semaphore(%run_scoped3A : memref<!tpu.dma_semaphore, #tpu.memory_space<semaphore_mem>>)
      tpu.wait_dma2 semaphore(%run_scoped3A : memref<!tpu.dma_semaphore, #tpu.memory_space<semaphore_mem>>) src(%arg8 : memref<13x32xf32, #tpu.memory_space<hbm>>) dst(%arg20 : memref<13x32xf32, #tpu.memory_space<vmem>>)
      tpu.yield
    }) : () -> ()
    "tpu.region"() ({
      %run_scoped3A = tpu.sem_alloc : memref<!tpu.dma_semaphore, #tpu.memory_space<semaphore_mem>>
      tpu.enqueue_dma source(%arg9 : memref<32xf32, #tpu.memory_space<hbm>>) target(%arg21 : memref<32xf32, #tpu.memory_space<vmem>>) target_semaphore(%run_scoped3A : memref<!tpu.dma_semaphore, #tpu.memory_space<semaphore_mem>>)
      tpu.wait_dma2 semaphore(%run_scoped3A : memref<!tpu.dma_semaphore, #tpu.memory_space<semaphore_mem>>) src(%arg9 : memref<32xf32, #tpu.memory_space<hbm>>) dst(%arg21 : memref<32xf32, #tpu.memory_space<vmem>>)
      tpu.yield
    }) : () -> ()
    %get3A = arith.constant 0 : i32
    %get3A_5 = arith.index_cast %get3A : i32 to index
    %get3A_6 = arith.constant 0 : index
    %get3A_7 = tpu.vector_load %arg20[%get3A_5, %get3A_6] {strides = array<i32>} : memref<13x32xf32, #tpu.memory_space<vmem>>, vector<16xf32>,
    %get3A_8 = arith.constant 1 : i32
    %get3A_9 = arith.index_cast %get3A_8 : i32 to index
    %get3A_10 = arith.constant 0 : index
    %get3A_11 = tpu.vector_load %arg20[%get3A_9, %get3A_10] {strides = array<i32>} : memref<13x32xf32, #tpu.memory_space<vmem>>, vector<16xf32>,
    %get3A_12 = arith.constant 2 : i32
    %get3A_13 = arith.index_cast %get3A_12 : i32 to index
    %get3A_14 = arith.constant 0 : index
    %get3A_15 = tpu.vector_load %arg20[%get3A_13, %get3A_14] {strides = array<i32>} : memref<13x32xf32, #tpu.memory_space<vmem>>, vector<16xf32>,
    %get3A_16 = arith.constant 3 : i32
    %get3A_17 = arith.index_cast %get3A_16 : i32 to index
    %get3A_18 = arith.constant 0 : index
    %get3A_19 = tpu.vector_load %arg20[%get3A_17, %get3A_18] {strides = array<i32>} : memref<13x32xf32, #tpu.memory_space<vmem>>, vector<16xf32>,
    %get3A_20 = arith.constant 4 : i32
    %get3A_21 = arith.index_cast %get3A_20 : i32 to index
    %get3A_22 = arith.constant 0 : index
    %get3A_23 = tpu.vector_load %arg20[%get3A_21, %get3A_22] {strides = array<i32>} : memref<13x32xf32, #tpu.memory_space<vmem>>, vector<16xf32>,
    %get3A_24 = arith.constant 5 : i32
    %get3A_25 = arith.index_cast %get3A_24 : i32 to index
    %get3A_26 = arith.constant 0 : index
    %get3A_27 = tpu.vector_load %arg20[%get3A_25, %get3A_26] {strides = array<i32>} : memref<13x32xf32, #tpu.memory_space<vmem>>, vector<16xf32>,
    %get3A_28 = arith.constant 6 : i32
    %get3A_29 = arith.index_cast %get3A_28 : i32 to index
    %get3A_30 = arith.constant 0 : index
    %get3A_31 = tpu.vector_load %arg20[%get3A_29, %get3A_30] {strides = array<i32>} : memref<13x32xf32, #tpu.memory_space<vmem>>, vector<16xf32>,
    %get3A_32 = arith.constant 7 : i32
    %get3A_33 = arith.index_cast %get3A_32 : i32 to index
    %get3A_34 = arith.constant 0 : index
    %get3A_35 = tpu.vector_load %arg20[%get3A_33, %get3A_34] {strides = array<i32>} : memref<13x32xf32, #tpu.memory_space<vmem>>, vector<16xf32>,
    %get3A_36 = arith.constant 8 : i32
    %get3A_37 = arith.index_cast %get3A_36 : i32 to index
    %get3A_38 = arith.constant 0 : index
    %get3A_39 = tpu.vector_load %arg20[%get3A_37, %get3A_38] {strides = array<i32>} : memref<13x32xf32, #tpu.memory_space<vmem>>, vector<16xf32>,
    %get3A_40 = arith.constant 9 : i32
    %get3A_41 = arith.index_cast %get3A_40 : i32 to index
    %get3A_42 = arith.constant 0 : index
    %get3A_43 = tpu.vector_load %arg20[%get3A_41, %get3A_42] {strides = array<i32>} : memref<13x32xf32, #tpu.memory_space<vmem>>, vector<16xf32>,
    %get3A_44 = arith.constant 10 : i32
    %get3A_45 = arith.index_cast %get3A_44 : i32 to index
    %get3A_46 = arith.constant 0 : index
    %get3A_47 = tpu.vector_load %arg20[%get3A_45, %get3A_46] {strides = array<i32>} : memref<13x32xf32, #tpu.memory_space<vmem>>, vector<16xf32>,
    %get3A_48 = arith.constant 11 : i32
    %get3A_49 = arith.index_cast %get3A_48 : i32 to index
    %get3A_50 = arith.constant 0 : index
    %get3A_51 = tpu.vector_load %arg20[%get3A_49, %get3A_50] {strides = array<i32>} : memref<13x32xf32, #tpu.memory_space<vmem>>, vector<16xf32>,
    %get3A_52 = arith.constant 12 : i32
    %get3A_53 = arith.index_cast %get3A_52 : i32 to index
    %get3A_54 = arith.constant 0 : index
    %get3A_55 = tpu.vector_load %arg20[%get3A_53, %get3A_54] {strides = array<i32>} : memref<13x32xf32, #tpu.memory_space<vmem>>, vector<16xf32>,
    %get3A_56 = arith.constant 0 : i32
    %get3A_57 = arith.index_cast %get3A_56 : i32 to index
    %get3A_58 = arith.constant 16 : index
    %get3A_59 = tpu.vector_load %arg20[%get3A_57, %get3A_58] {strides = array<i32>} : memref<13x32xf32, #tpu.memory_space<vmem>>, vector<16xf32>,
    %get3A_60 = arith.constant 1 : i32
    %get3A_61 = arith.index_cast %get3A_60 : i32 to index
    %get3A_62 = arith.constant 16 : index
    %get3A_63 = tpu.vector_load %arg20[%get3A_61, %get3A_62] {strides = array<i32>} : memref<13x32xf32, #tpu.memory_space<vmem>>, vector<16xf32>,
    %get3A_64 = arith.constant 2 : i32
    %get3A_65 = arith.index_cast %get3A_64 : i32 to index
    %get3A_66 = arith.constant 16 : index
    %get3A_67 = tpu.vector_load %arg20[%get3A_65, %get3A_66] {strides = array<i32>} : memref<13x32xf32, #tpu.memory_space<vmem>>, vector<16xf32>,
    %get3A_68 = arith.constant 3 : i32
    %get3A_69 = arith.index_cast %get3A_68 : i32 to index
    %get3A_70 = arith.constant 16 : index
    %get3A_71 = tpu.vector_load %arg20[%get3A_69, %get3A_70] {strides = array<i32>} : memref<13x32xf32, #tpu.memory_space<vmem>>, vector<16xf32>,
    %get3A_72 = arith.constant 4 : i32
    %get3A_73 = arith.index_cast %get3A_72 : i32 to index
    %get3A_74 = arith.constant 16 : index
    %get3A_75 = tpu.vector_load %arg20[%get3A_73, %get3A_74] {strides = array<i32>} : memref<13x32xf32, #tpu.memory_space<vmem>>, vector<16xf32>,
    %get3A_76 = arith.constant 5 : i32
    %get3A_77 = arith.index_cast %get3A_76 : i32 to index
    %get3A_78 = arith.constant 16 : index
    %get3A_79 = tpu.vector_load %arg20[%get3A_77, %get3A_78] {strides = array<i32>} : memref<13x32xf32, #tpu.memory_space<vmem>>, vector<16xf32>,
    %get3A_80 = arith.constant 6 : i32
    %get3A_81 = arith.index_cast %get3A_80 : i32 to index
    %get3A_82 = arith.constant 16 : index
    %get3A_83 = tpu.vector_load %arg20[%get3A_81, %get3A_82] {strides = array<i32>} : memref<13x32xf32, #tpu.memory_space<vmem>>, vector<16xf32>,
    %get3A_84 = arith.constant 7 : i32
    %get3A_85 = arith.index_cast %get3A_84 : i32 to index
    %get3A_86 = arith.constant 16 : index
    %get3A_87 = tpu.vector_load %arg20[%get3A_85, %get3A_86] {strides = array<i32>} : memref<13x32xf32, #tpu.memory_space<vmem>>, vector<16xf32>,
    %get3A_88 = arith.constant 8 : i32
    %get3A_89 = arith.index_cast %get3A_88 : i32 to index
    %get3A_90 = arith.constant 16 : index
    %get3A_91 = tpu.vector_load %arg20[%get3A_89, %get3A_90] {strides = array<i32>} : memref<13x32xf32, #tpu.memory_space<vmem>>, vector<16xf32>,
    %get3A_92 = arith.constant 9 : i32
    %get3A_93 = arith.index_cast %get3A_92 : i32 to index
    %get3A_94 = arith.constant 16 : index
    %get3A_95 = tpu.vector_load %arg20[%get3A_93, %get3A_94] {strides = array<i32>} : memref<13x32xf32, #tpu.memory_space<vmem>>, vector<16xf32>,
    %get3A_96 = arith.constant 10 : i32
    %get3A_97 = arith.index_cast %get3A_96 : i32 to index
    %get3A_98 = arith.constant 16 : index
    %get3A_99 = tpu.vector_load %arg20[%get3A_97, %get3A_98] {strides = array<i32>} : memref<13x32xf32, #tpu.memory_space<vmem>>, vector<16xf32>,
    %get3A_100 = arith.constant 11 : i32
    %get3A_101 = arith.index_cast %get3A_100 : i32 to index
    %get3A_102 = arith.constant 16 : index
    %get3A_103 = tpu.vector_load %arg20[%get3A_101, %get3A_102] {strides = array<i32>} : memref<13x32xf32, #tpu.memory_space<vmem>>, vector<16xf32>,
    %get3A_104 = arith.constant 12 : i32
    %get3A_105 = arith.index_cast %get3A_104 : i32 to index
    %get3A_106 = arith.constant 16 : index
    %get3A_107 = tpu.vector_load %arg20[%get3A_105, %get3A_106] {strides = array<i32>} : memref<13x32xf32, #tpu.memory_space<vmem>>, vector<16xf32>,
    %get3A_108 = arith.constant 0 : index
    %get3A_109 = tpu.vector_load %arg21[%get3A_108] {strides = array<i32>} : memref<32xf32, #tpu.memory_space<vmem>>, vector<16xf32>,
    %get3A_110 = arith.constant 16 : index
    %get3A_111 = tpu.vector_load %arg21[%get3A_110] {strides = array<i32>} : memref<32xf32, #tpu.memory_space<vmem>>, vector<16xf32>,
    %scan3A = arith.constant 0 : i32
    %scan3A_112 = arith.constant 0 : i32
    %scan3A_113 = arith.constant 128 : i32
    %scan3A_114 = arith.addi %scan3A_112, %scan3A_113 : i32
    %scan3A_115 = arith.constant 1 : i32
    scf.for %scan3A_123 = %scan3A_112 to %scan3A_114 step %scan3A_115  : i32 {
      %mul3A_124 = arith.constant 13 : i32
      %mul3A_125 = arith.muli %scan3A_123, %mul3A_124 : i32
      %get3A_126 = arith.index_cast %mul3A_125 : i32 to index
      %get3A_127 = tpu.vector_load %arg19[%get3A_126] {strides = array<i32>} : memref<1680xf32, #tpu.memory_space<vmem>>, vector<16xf32>,
      %slice3A = vector.extract_strided_slice %get3A_127 {offsets = [0], sizes = [1], strides = [1]} : vector<16xf32> to vector<1xf32>
      %squeeze3A = vector.extract %slice3A[0] : f32 from vector<1xf32>
      %mul3A_128 = vector.broadcast %squeeze3A : f32 to vector<16xf32>
      %mul3A_129 = arith.mulf %mul3A_128, %get3A_7 : vector<16xf32>
      %add3A_130 = arith.addf %get3A_109, %mul3A_129 : vector<16xf32>
      %mul3A_131 = vector.broadcast %squeeze3A : f32 to vector<16xf32>
      %mul3A_132 = arith.mulf %mul3A_131, %get3A_59 : vector<16xf32>
      %add3A_133 = arith.addf %get3A_111, %mul3A_132 : vector<16xf32>
      %slice3A_134 = vector.extract_strided_slice %get3A_127 {offsets = [1], sizes = [1], strides = [1]} : vector<16xf32> to vector<1xf32>
      %squeeze3A_135 = vector.extract %slice3A_134[0] : f32 from vector<1xf32>
      %mul3A_136 = vector.broadcast %squeeze3A_135 : f32 to vector<16xf32>
      %mul3A_137 = arith.mulf %mul3A_136, %get3A_11 : vector<16xf32>
      %add3A_138 = arith.addf %add3A_130, %mul3A_137 : vector<16xf32>
      %mul3A_139 = vector.broadcast %squeeze3A_135 : f32 to vector<16xf32>
      %mul3A_140 = arith.mulf %mul3A_139, %get3A_63 : vector<16xf32>
      %add3A_141 = arith.addf %add3A_133, %mul3A_140 : vector<16xf32>
      %slice3A_142 = vector.extract_strided_slice %get3A_127 {offsets = [2], sizes = [1], strides = [1]} : vector<16xf32> to vector<1xf32>
      %squeeze3A_143 = vector.extract %slice3A_142[0] : f32 from vector<1xf32>
      %mul3A_144 = vector.broadcast %squeeze3A_143 : f32 to vector<16xf32>
      %mul3A_145 = arith.mulf %mul3A_144, %get3A_15 : vector<16xf32>
      %add3A_146 = arith.addf %add3A_138, %mul3A_145 : vector<16xf32>
      %mul3A_147 = vector.broadcast %squeeze3A_143 : f32 to vector<16xf32>
      %mul3A_148 = arith.mulf %mul3A_147, %get3A_67 : vector<16xf32>
      %add3A_149 = arith.addf %add3A_141, %mul3A_148 : vector<16xf32>
      %slice3A_150 = vector.extract_strided_slice %get3A_127 {offsets = [3], sizes = [1], strides = [1]} : vector<16xf32> to vector<1xf32>
      %squeeze3A_151 = vector.extract %slice3A_150[0] : f32 from vector<1xf32>
      %mul3A_152 = vector.broadcast %squeeze3A_151 : f32 to vector<16xf32>
      %mul3A_153 = arith.mulf %mul3A_152, %get3A_19 : vector<16xf32>
      %add3A_154 = arith.addf %add3A_146, %mul3A_153 : vector<16xf32>
      %mul3A_155 = vector.broadcast %squeeze3A_151 : f32 to vector<16xf32>
      %mul3A_156 = arith.mulf %mul3A_155, %get3A_71 : vector<16xf32>
      %add3A_157 = arith.addf %add3A_149, %mul3A_156 : vector<16xf32>
      %slice3A_158 = vector.extract_strided_slice %get3A_127 {offsets = [4], sizes = [1], strides = [1]} : vector<16xf32> to vector<1xf32>
      %squeeze3A_159 = vector.extract %slice3A_158[0] : f32 from vector<1xf32>
      %mul3A_160 = vector.broadcast %squeeze3A_159 : f32 to vector<16xf32>
      %mul3A_161 = arith.mulf %mul3A_160, %get3A_23 : vector<16xf32>
      %add3A_162 = arith.addf %add3A_154, %mul3A_161 : vector<16xf32>
      %mul3A_163 = vector.broadcast %squeeze3A_159 : f32 to vector<16xf32>
      %mul3A_164 = arith.mulf %mul3A_163, %get3A_75 : vector<16xf32>
      %add3A_165 = arith.addf %add3A_157, %mul3A_164 : vector<16xf32>
      %slice3A_166 = vector.extract_strided_slice %get3A_127 {offsets = [5], sizes = [1], strides = [1]} : vector<16xf32> to vector<1xf32>
      %squeeze3A_167 = vector.extract %slice3A_166[0] : f32 from vector<1xf32>
      %mul3A_168 = vector.broadcast %squeeze3A_167 : f32 to vector<16xf32>
      %mul3A_169 = arith.mulf %mul3A_168, %get3A_27 : vector<16xf32>
      %add3A_170 = arith.addf %add3A_162, %mul3A_169 : vector<16xf32>
      %mul3A_171 = vector.broadcast %squeeze3A_167 : f32 to vector<16xf32>
      %mul3A_172 = arith.mulf %mul3A_171, %get3A_79 : vector<16xf32>
      %add3A_173 = arith.addf %add3A_165, %mul3A_172 : vector<16xf32>
      %slice3A_174 = vector.extract_strided_slice %get3A_127 {offsets = [6], sizes = [1], strides = [1]} : vector<16xf32> to vector<1xf32>
      %squeeze3A_175 = vector.extract %slice3A_174[0] : f32 from vector<1xf32>
      %mul3A_176 = vector.broadcast %squeeze3A_175 : f32 to vector<16xf32>
      %mul3A_177 = arith.mulf %mul3A_176, %get3A_31 : vector<16xf32>
      %add3A_178 = arith.addf %add3A_170, %mul3A_177 : vector<16xf32>
      %mul3A_179 = vector.broadcast %squeeze3A_175 : f32 to vector<16xf32>
      %mul3A_180 = arith.mulf %mul3A_179, %get3A_83 : vector<16xf32>
      %add3A_181 = arith.addf %add3A_173, %mul3A_180 : vector<16xf32>
      %slice3A_182 = vector.extract_strided_slice %get3A_127 {offsets = [7], sizes = [1], strides = [1]} : vector<16xf32> to vector<1xf32>
      %squeeze3A_183 = vector.extract %slice3A_182[0] : f32 from vector<1xf32>
      %mul3A_184 = vector.broadcast %squeeze3A_183 : f32 to vector<16xf32>
      %mul3A_185 = arith.mulf %mul3A_184, %get3A_35 : vector<16xf32>
      %add3A_186 = arith.addf %add3A_178, %mul3A_185 : vector<16xf32>
      %mul3A_187 = vector.broadcast %squeeze3A_183 : f32 to vector<16xf32>
      %mul3A_188 = arith.mulf %mul3A_187, %get3A_87 : vector<16xf32>
      %add3A_189 = arith.addf %add3A_181, %mul3A_188 : vector<16xf32>
      %slice3A_190 = vector.extract_strided_slice %get3A_127 {offsets = [8], sizes = [1], strides = [1]} : vector<16xf32> to vector<1xf32>
      %squeeze3A_191 = vector.extract %slice3A_190[0] : f32 from vector<1xf32>
      %mul3A_192 = vector.broadcast %squeeze3A_191 : f32 to vector<16xf32>
      %mul3A_193 = arith.mulf %mul3A_192, %get3A_39 : vector<16xf32>
      %add3A_194 = arith.addf %add3A_186, %mul3A_193 : vector<16xf32>
      %mul3A_195 = vector.broadcast %squeeze3A_191 : f32 to vector<16xf32>
      %mul3A_196 = arith.mulf %mul3A_195, %get3A_91 : vector<16xf32>
      %add3A_197 = arith.addf %add3A_189, %mul3A_196 : vector<16xf32>
      %slice3A_198 = vector.extract_strided_slice %get3A_127 {offsets = [9], sizes = [1], strides = [1]} : vector<16xf32> to vector<1xf32>
      %squeeze3A_199 = vector.extract %slice3A_198[0] : f32 from vector<1xf32>
      %mul3A_200 = vector.broadcast %squeeze3A_199 : f32 to vector<16xf32>
      %mul3A_201 = arith.mulf %mul3A_200, %get3A_43 : vector<16xf32>
      %add3A_202 = arith.addf %add3A_194, %mul3A_201 : vector<16xf32>
      %mul3A_203 = vector.broadcast %squeeze3A_199 : f32 to vector<16xf32>
      %mul3A_204 = arith.mulf %mul3A_203, %get3A_95 : vector<16xf32>
      %add3A_205 = arith.addf %add3A_197, %mul3A_204 : vector<16xf32>
      %slice3A_206 = vector.extract_strided_slice %get3A_127 {offsets = [10], sizes = [1], strides = [1]} : vector<16xf32> to vector<1xf32>
      %squeeze3A_207 = vector.extract %slice3A_206[0] : f32 from vector<1xf32>
      %mul3A_208 = vector.broadcast %squeeze3A_207 : f32 to vector<16xf32>
      %mul3A_209 = arith.mulf %mul3A_208, %get3A_47 : vector<16xf32>
      %add3A_210 = arith.addf %add3A_202, %mul3A_209 : vector<16xf32>
      %mul3A_211 = vector.broadcast %squeeze3A_207 : f32 to vector<16xf32>
      %mul3A_212 = arith.mulf %mul3A_211, %get3A_99 : vector<16xf32>
      %add3A_213 = arith.addf %add3A_205, %mul3A_212 : vector<16xf32>
      %slice3A_214 = vector.extract_strided_slice %get3A_127 {offsets = [11], sizes = [1], strides = [1]} : vector<16xf32> to vector<1xf32>
      %squeeze3A_215 = vector.extract %slice3A_214[0] : f32 from vector<1xf32>
      %mul3A_216 = vector.broadcast %squeeze3A_215 : f32 to vector<16xf32>
      %mul3A_217 = arith.mulf %mul3A_216, %get3A_51 : vector<16xf32>
      %add3A_218 = arith.addf %add3A_210, %mul3A_217 : vector<16xf32>
      %mul3A_219 = vector.broadcast %squeeze3A_215 : f32 to vector<16xf32>
      %mul3A_220 = arith.mulf %mul3A_219, %get3A_103 : vector<16xf32>
      %add3A_221 = arith.addf %add3A_213, %mul3A_220 : vector<16xf32>
      %slice3A_222 = vector.extract_strided_slice %get3A_127 {offsets = [12], sizes = [1], strides = [1]} : vector<16xf32> to vector<1xf32>
      %squeeze3A_223 = vector.extract %slice3A_222[0] : f32 from vector<1xf32>
      %mul3A_224 = vector.broadcast %squeeze3A_223 : f32 to vector<16xf32>
      %mul3A_225 = arith.mulf %mul3A_224, %get3A_55 : vector<16xf32>
      %add3A_226 = arith.addf %add3A_218, %mul3A_225 : vector<16xf32>
      %mul3A_227 = vector.broadcast %squeeze3A_223 : f32 to vector<16xf32>
      %mul3A_228 = arith.mulf %mul3A_227, %get3A_107 : vector<16xf32>
      %add3A_229 = arith.addf %add3A_221, %mul3A_228 : vector<16xf32>
      %swap3A = arith.index_cast %scan3A_123 : i32 to index
      %swap3A_230 = arith.constant 0 : index
      %swap3A_231 = tpu.vector_load %arg22[%swap3A, %swap3A_230] {strides = array<i32>} : memref<128x32xf32, #tpu.memory_space<vmem>>, vector<16xf32>,
      tpu.vector_store %arg22[%swap3A, %swap3A_230], %add3A_226 {strides = array<i32>} : memref<128x32xf32, #tpu.memory_space<vmem>>, vector<16xf32>,
      %swap3A_232 = arith.index_cast %scan3A_123 : i32 to index
      %swap3A_233 = arith.constant 16 : index
      %swap3A_234 = tpu.vector_load %arg22[%swap3A_232, %swap3A_233] {strides = array<i32>} : memref<128x32xf32, #tpu.memory_space<vmem>>, vector<16xf32>,
      tpu.vector_store %arg22[%swap3A_232, %swap3A_233], %add3A_229 {strides = array<i32>} : memref<128x32xf32, #tpu.memory_space<vmem>>, vector<16xf32>,
    }
    %scan3A_116 = arith.constant 128 : i32
    "tpu.region"() ({
      %run_scoped3A = tpu.sem_alloc : memref<!tpu.dma_semaphore, #tpu.memory_space<semaphore_mem>>
      %dma_start3A = arith.constant 0 : i32
      %dma_start3A_123 = tpu.memref_slice %arg11[%mul3A_2, %dma_start3A] : memref<4096x32xf32, #tpu.memory_space<hbm>> -> memref<128x32xf32, #tpu.memory_space<hbm>>
      %dma_start3A_124 = arith.constant 0 : i32
      %dma_start3A_125 = tpu.memref_slice %arg11[%mul3A_2, %dma_start3A_124] : memref<4096x32xf32, #tpu.memory_space<hbm>> -> memref<128x32xf32, #tpu.memory_space<hbm>>
      tpu.enqueue_dma source(%arg22 : memref<128x32xf32, #tpu.memory_space<vmem>>) target(%dma_start3A_125 : memref<128x32xf32, #tpu.memory_space<hbm>>) target_semaphore(%run_scoped3A : memref<!tpu.dma_semaphore, #tpu.memory_space<semaphore_mem>>)
      %dma_wait3A = arith.constant 0 : i32
      %dma_wait3A_126 = tpu.memref_slice %arg11[%mul3A_2, %dma_wait3A] : memref<4096x32xf32, #tpu.memory_space<hbm>> -> memref<128x32xf32, #tpu.memory_space<hbm>>
      %dma_wait3A_127 = arith.constant 0 : i32
      %dma_wait3A_128 = tpu.memref_slice %arg11[%mul3A_2, %dma_wait3A_127] : memref<4096x32xf32, #tpu.memory_space<hbm>> -> memref<128x32xf32, #tpu.memory_space<hbm>>
      tpu.wait_dma2 semaphore(%run_scoped3A : memref<!tpu.dma_semaphore, #tpu.memory_space<semaphore_mem>>) src(%arg22 : memref<128x32xf32, #tpu.memory_space<vmem>>) dst(%dma_wait3A_128 : memref<128x32xf32, #tpu.memory_space<hbm>>)
      tpu.yield
    }) : () -> ()
    %scan3A_117 = arith.constant 0 : i32
    %scan3A_118 = arith.constant 0 : i32
    %scan3A_119 = arith.constant 4 : i32
    %scan3A_120 = arith.addi %scan3A_118, %scan3A_119 : i32
    %scan3A_121 = arith.constant 1 : i32
    scf.for %scan3A_123 = %scan3A_118 to %scan3A_120 step %scan3A_121  : i32 {
      %mul3A_124 = arith.constant 32 : i32
      %mul3A_125 = arith.muli %scan3A_123, %mul3A_124 : i32
      %add3A_126 = arith.addi %add3A, %mul3A_125 : i32
      %lt3A = arith.constant 104 : i32
      %lt3A_127 = arith.cmpi slt, %add3A_126, %lt3A : i32
      %convert_element_type3A = arith.extui %lt3A_127 : i1 to i32
      %cond3A = arith.constant 0 : i32
      %cond3A_128 = arith.cmpi ne, %convert_element_type3A, %cond3A : i32
      scf.if %cond3A_128 {
        %jit3A = arith.constant 4 : i32
        %div3A = arith.divsi %add3A_126, %jit3A : i32
        %sign3A = arith.constant 0 : i32
        %sign3A_129 = arith.cmpi sgt, %add3A_126, %sign3A : i32
        %sign3A_130 = arith.extui %sign3A_129 : i1 to i32
        %sign3A_131 = arith.constant 0 : i32
        %sign3A_132 = arith.cmpi slt, %add3A_126, %sign3A_131 : i32
        %sign3A_133 = arith.extui %sign3A_132 : i1 to i32
        %sign3A_134 = arith.subi %sign3A_130, %sign3A_133 : i32
        %sign3A_135 = arith.constant 0 : i32
        %sign3A_136 = arith.cmpi sgt, %jit3A, %sign3A_135 : i32
        %sign3A_137 = arith.extui %sign3A_136 : i1 to i32
        %sign3A_138 = arith.constant 0 : i32
        %sign3A_139 = arith.cmpi slt, %jit3A, %sign3A_138 : i32
        %sign3A_140 = arith.extui %sign3A_139 : i1 to i32
        %sign3A_141 = arith.subi %sign3A_137, %sign3A_140 : i32
        %ne3A = arith.cmpi ne, %sign3A_134, %sign3A_141 : i32
        %rem3A = arith.remsi %add3A_126, %jit3A : i32
        %ne3A_142 = arith.constant 0 : i32
        %ne3A_143 = arith.cmpi ne, %rem3A, %ne3A_142 : i32
        %and3A = arith.andi %ne3A, %ne3A_143 : i1
        %sub3A = arith.constant 1 : i32
        %sub3A_144 = arith.subi %div3A, %sub3A : i32
        %select_n3A = arith.select %and3A, %sub3A_144, %div3A : i32
        %mul3A_145 = arith.constant 4 : i32
        %mul3A_146 = arith.muli %select_n3A, %mul3A_145 : i32
        %sub3A_147 = arith.subi %add3A_126, %mul3A_146 : i32
        %mul3A_148 = arith.constant 8 : i32
        %mul3A_149 = arith.muli %sub3A_147, %mul3A_148 : i32
        %multiple_of3A = tpu.assume_multiple %mul3A_149, 8 : i32
        %mul3A_150 = arith.constant 4096 : i32
        %mul3A_151 = arith.muli %select_n3A, %mul3A_150 : i32
        "tpu.region"() ({
          %run_scoped3A = tpu.sem_alloc : memref<!tpu.dma_semaphore, #tpu.memory_space<semaphore_mem>>
          %dma_start3A_291 = tpu.memref_slice %arg2[%mul3A_151] : memref<106496xi32, #tpu.memory_space<hbm>> -> memref<4096xi32, #tpu.memory_space<hbm>>
          %dma_start3A_292 = tpu.memref_slice %arg2[%mul3A_151] : memref<106496xi32, #tpu.memory_space<hbm>> -> memref<4096xi32, #tpu.memory_space<hbm>>
          tpu.enqueue_dma source(%dma_start3A_292 : memref<4096xi32, #tpu.memory_space<hbm>>) target(%arg12 : memref<4096xi32, #tpu.memory_space<vmem>>) target_semaphore(%run_scoped3A : memref<!tpu.dma_semaphore, #tpu.memory_space<semaphore_mem>>)
          %dma_wait3A_293 = tpu.memref_slice %arg2[%mul3A_151] : memref<106496xi32, #tpu.memory_space<hbm>> -> memref<4096xi32, #tpu.memory_space<hbm>>
          %dma_wait3A_294 = tpu.memref_slice %arg2[%mul3A_151] : memref<106496xi32, #tpu.memory_space<hbm>> -> memref<4096xi32, #tpu.memory_space<hbm>>
          tpu.wait_dma2 semaphore(%run_scoped3A : memref<!tpu.dma_semaphore, #tpu.memory_space<semaphore_mem>>) src(%dma_wait3A_294 : memref<4096xi32, #tpu.memory_space<hbm>>) dst(%arg12 : memref<4096xi32, #tpu.memory_space<vmem>>)
          tpu.yield
        }) : () -> ()
        %mul3A_152 = arith.constant 4096 : i32
        %mul3A_153 = arith.muli %select_n3A, %mul3A_152 : i32
        "tpu.region"() ({
          %run_scoped3A = tpu.sem_alloc : memref<!tpu.dma_semaphore, #tpu.memory_space<semaphore_mem>>
          %dma_start3A_291 = tpu.memref_slice %arg3[%mul3A_153] : memref<106496xi32, #tpu.memory_space<hbm>> -> memref<4096xi32, #tpu.memory_space<hbm>>
          %dma_start3A_292 = tpu.memref_slice %arg3[%mul3A_153] : memref<106496xi32, #tpu.memory_space<hbm>> -> memref<4096xi32, #tpu.memory_space<hbm>>
          tpu.enqueue_dma source(%dma_start3A_292 : memref<4096xi32, #tpu.memory_space<hbm>>) target(%arg13 : memref<4096xi32, #tpu.memory_space<vmem>>) target_semaphore(%run_scoped3A : memref<!tpu.dma_semaphore, #tpu.memory_space<semaphore_mem>>)
          %dma_wait3A_293 = tpu.memref_slice %arg3[%mul3A_153] : memref<106496xi32, #tpu.memory_space<hbm>> -> memref<4096xi32, #tpu.memory_space<hbm>>
          %dma_wait3A_294 = tpu.memref_slice %arg3[%mul3A_153] : memref<106496xi32, #tpu.memory_space<hbm>> -> memref<4096xi32, #tpu.memory_space<hbm>>
          tpu.wait_dma2 semaphore(%run_scoped3A : memref<!tpu.dma_semaphore, #tpu.memory_space<semaphore_mem>>) src(%dma_wait3A_294 : memref<4096xi32, #tpu.memory_space<hbm>>) dst(%arg13 : memref<4096xi32, #tpu.memory_space<vmem>>)
          tpu.yield
        }) : () -> ()
        %mul3A_154 = arith.constant 64 : i32
        %mul3A_155 = arith.muli %select_n3A, %mul3A_154 : i32
        "tpu.region"() ({
          %run_scoped3A = tpu.sem_alloc : memref<!tpu.dma_semaphore, #tpu.memory_space<semaphore_mem>>
          %dma_start3A_291 = tpu.memref_slice %arg4[%mul3A_155] : memref<1664xi32, #tpu.memory_space<hbm>> -> memref<64xi32, #tpu.memory_space<hbm>>
          %dma_start3A_292 = tpu.memref_slice %arg4[%mul3A_155] : memref<1664xi32, #tpu.memory_space<hbm>> -> memref<64xi32, #tpu.memory_space<hbm>>
          tpu.enqueue_dma source(%dma_start3A_292 : memref<64xi32, #tpu.memory_space<hbm>>) target(%arg14 : memref<64xi32, #tpu.memory_space<vmem>>) target_semaphore(%run_scoped3A : memref<!tpu.dma_semaphore, #tpu.memory_space<semaphore_mem>>)
          %dma_wait3A_293 = tpu.memref_slice %arg4[%mul3A_155] : memref<1664xi32, #tpu.memory_space<hbm>> -> memref<64xi32, #tpu.memory_space<hbm>>
          %dma_wait3A_294 = tpu.memref_slice %arg4[%mul3A_155] : memref<1664xi32, #tpu.memory_space<hbm>> -> memref<64xi32, #tpu.memory_space<hbm>>
          tpu.wait_dma2 semaphore(%run_scoped3A : memref<!tpu.dma_semaphore, #tpu.memory_space<semaphore_mem>>) src(%dma_wait3A_294 : memref<64xi32, #tpu.memory_space<hbm>>) dst(%arg14 : memref<64xi32, #tpu.memory_space<vmem>>)
          tpu.yield
        }) : () -> ()
        %mul3A_156 = arith.constant 4 : i32
        %mul3A_157 = arith.muli %select_n3A, %mul3A_156 : i32
        %add3A_158 = arith.addi %mul3A_157, %sub3A_147 : i32
        %mul3A_159 = arith.constant 8 : i32
        %mul3A_160 = arith.muli %add3A_158, %mul3A_159 : i32
        %multiple_of3A_161 = tpu.assume_multiple %mul3A_160, 8 : i32
        "tpu.region"() ({
          %run_scoped3A = tpu.sem_alloc : memref<!tpu.dma_semaphore, #tpu.memory_space<semaphore_mem>>
          %dma_start3A_291 = arith.constant 0 : i32
          %dma_start3A_292 = tpu.memref_slice %arg5[%multiple_of3A_161, %dma_start3A_291] : memref<832x32xf32, #tpu.memory_space<hbm>> -> memref<8x32xf32, #tpu.memory_space<hbm>>
          %dma_start3A_293 = arith.constant 0 : i32
          %dma_start3A_294 = tpu.memref_slice %arg5[%multiple_of3A_161, %dma_start3A_293] : memref<832x32xf32, #tpu.memory_space<hbm>> -> memref<8x32xf32, #tpu.memory_space<hbm>>
          tpu.enqueue_dma source(%dma_start3A_294 : memref<8x32xf32, #tpu.memory_space<hbm>>) target(%arg15 : memref<8x32xf32, #tpu.memory_space<vmem>>) target_semaphore(%run_scoped3A : memref<!tpu.dma_semaphore, #tpu.memory_space<semaphore_mem>>)
          %dma_wait3A_295 = arith.constant 0 : i32
          %dma_wait3A_296 = tpu.memref_slice %arg5[%multiple_of3A_161, %dma_wait3A_295] : memref<832x32xf32, #tpu.memory_space<hbm>> -> memref<8x32xf32, #tpu.memory_space<hbm>>
          %dma_wait3A_297 = arith.constant 0 : i32
          %dma_wait3A_298 = tpu.memref_slice %arg5[%multiple_of3A_161, %dma_wait3A_297] : memref<832x32xf32, #tpu.memory_space<hbm>> -> memref<8x32xf32, #tpu.memory_space<hbm>>
          tpu.wait_dma2 semaphore(%run_scoped3A : memref<!tpu.dma_semaphore, #tpu.memory_space<semaphore_mem>>) src(%dma_wait3A_298 : memref<8x32xf32, #tpu.memory_space<hbm>>) dst(%arg15 : memref<8x32xf32, #tpu.memory_space<vmem>>)
          tpu.yield
        }) : () -> ()
        %multiple_of3A_162 = arith.constant 0 : i32
        %multiple_of3A_163 = tpu.assume_multiple %multiple_of3A_162, 128 : i32
        %dma_start3A = tpu.memref_slice %arg7[%select_n3A, %multiple_of3A, %multiple_of3A_163] : memref<26x32x100000xf32, #tpu.memory_space<hbm>> -> memref<1x8x4096xf32, #tpu.memory_space<hbm>>
        %dma_start3A_164 = tpu.memref_squeeze %dma_start3A : memref<1x8x4096xf32, #tpu.memory_space<hbm>> -> memref<8x4096xf32, #tpu.memory_space<hbm>>
        %dma_start3A_165 = tpu.memref_slice %arg7[%select_n3A, %multiple_of3A, %multiple_of3A_163] : memref<26x32x100000xf32, #tpu.memory_space<hbm>> -> memref<1x8x4096xf32, #tpu.memory_space<hbm>>
        %dma_start3A_166 = tpu.memref_squeeze %dma_start3A_165 : memref<1x8x4096xf32, #tpu.memory_space<hbm>> -> memref<8x4096xf32, #tpu.memory_space<hbm>>
        tpu.enqueue_dma source(%dma_start3A_166 : memref<8x4096xf32, #tpu.memory_space<hbm>>) target(%arg16 : memref<8x4096xf32, #tpu.memory_space<vmem>>) target_semaphore(%arg23 : memref<!tpu.dma_semaphore, #tpu.memory_space<semaphore_mem>>)
        %scan3A_167 = arith.constant 0 : i32
        %scan3A_168 = arith.constant 0 : i32
        %scan3A_169 = arith.constant 12 : i32
        %scan3A_170 = arith.addi %scan3A_168, %scan3A_169 : i32
        %scan3A_171 = arith.constant 1 : i32
        scf.for %scan3A_291 = %scan3A_168 to %scan3A_170 step %scan3A_171  : i32 {
          %mul3A_292 = arith.constant 2 : i32
          %mul3A_293 = arith.muli %mul3A_292, %scan3A_291 : i32
          %add3A_294 = arith.constant 1 : i32
          %add3A_295 = arith.addi %mul3A_293, %add3A_294 : i32
          %mul3A_296 = arith.constant 4096 : i32
          %mul3A_297 = arith.muli %add3A_295, %mul3A_296 : i32
          %multiple_of3A_298 = tpu.assume_multiple %mul3A_297, 128 : i32
          %dma_start3A_299 = tpu.memref_slice %arg7[%select_n3A, %multiple_of3A, %multiple_of3A_298] : memref<26x32x100000xf32, #tpu.memory_space<hbm>> -> memref<1x8x4096xf32, #tpu.memory_space<hbm>>
          %dma_start3A_300 = tpu.memref_squeeze %dma_start3A_299 : memref<1x8x4096xf32, #tpu.memory_space<hbm>> -> memref<8x4096xf32, #tpu.memory_space<hbm>>
          %dma_start3A_301 = tpu.memref_slice %arg7[%select_n3A, %multiple_of3A, %multiple_of3A_298] : memref<26x32x100000xf32, #tpu.memory_space<hbm>> -> memref<1x8x4096xf32, #tpu.memory_space<hbm>>
          %dma_start3A_302 = tpu.memref_squeeze %dma_start3A_301 : memref<1x8x4096xf32, #tpu.memory_space<hbm>> -> memref<8x4096xf32, #tpu.memory_space<hbm>>
          tpu.enqueue_dma source(%dma_start3A_302 : memref<8x4096xf32, #tpu.memory_space<hbm>>) target(%arg17 : memref<8x4096xf32, #tpu.memory_space<vmem>>) target_semaphore(%arg24 : memref<!tpu.dma_semaphore, #tpu.memory_space<semaphore_mem>>)
          %dma_wait3A_303 = arith.constant 0 : i32
          %dma_wait3A_304 = arith.constant 0 : i32
          %dma_wait3A_305 = arith.constant 0 : i32
          %dma_wait3A_306 = tpu.memref_slice %arg7[%dma_wait3A_303, %dma_wait3A_304, %dma_wait3A_305] : memref<26x32x100000xf32, #tpu.memory_space<hbm>> -> memref<1x8x4096xf32, #tpu.memory_space<hbm>>
          %dma_wait3A_307 = tpu.memref_squeeze %dma_wait3A_306 : memref<1x8x4096xf32, #tpu.memory_space<hbm>> -> memref<8x4096xf32, #tpu.memory_space<hbm>>
          %dma_wait3A_308 = arith.constant 0 : i32
          %dma_wait3A_309 = arith.constant 0 : i32
          %dma_wait3A_310 = tpu.memref_slice %arg7[%dma_wait3A_303, %dma_wait3A_308, %dma_wait3A_309] : memref<26x32x100000xf32, #tpu.memory_space<hbm>> -> memref<1x8x4096xf32, #tpu.memory_space<hbm>>
          %dma_wait3A_311 = tpu.memref_squeeze %dma_wait3A_310 : memref<1x8x4096xf32, #tpu.memory_space<hbm>> -> memref<8x4096xf32, #tpu.memory_space<hbm>>
          tpu.wait_dma2 semaphore(%arg23 : memref<!tpu.dma_semaphore, #tpu.memory_space<semaphore_mem>>) src(%dma_wait3A_311 : memref<8x4096xf32, #tpu.memory_space<hbm>>) dst(%arg16 : memref<8x4096xf32, #tpu.memory_space<vmem>>)
          %mul3A_312 = arith.constant 4096 : i32
          %mul3A_313 = arith.muli %mul3A_293, %mul3A_312 : i32
          %add3A_314 = vector.broadcast %mul3A_293 : i32 to vector<16xi32>
          %add3A_315 = arith.addi %add3A_314, %iota3A : vector<16xi32>
          %min3A_316 = arith.constant 63 : i32
          %min3A_317 = vector.broadcast %min3A_316 : i32 to vector<16xi32>
          %min3A_318 = arith.minsi %add3A_315, %min3A_317 : vector<16xi32>
          %gather3A_319 = tpu.vector_load_idx %arg14[%min3A_318] : memref<64xi32, #tpu.memory_space<vmem>>[vector<16xi32>], vector<16xi32>,
          %slice3A_320 = vector.extract_strided_slice %gather3A_319 {offsets = [0], sizes = [1], strides = [1]} : vector<16xi32> to vector<1xi32>
          %squeeze3A_321 = vector.extract %slice3A_320[0] : i32 from vector<1xi32>
          %slice3A_322 = vector.extract_strided_slice %gather3A_319 {offsets = [1], sizes = [1], strides = [1]} : vector<16xi32> to vector<1xi32>
          %squeeze3A_323 = vector.extract %slice3A_322[0] : i32 from vector<1xi32>
          %sub3A_324 = arith.subi %squeeze3A_323, %squeeze3A_321 : i32
          %add3A_325 = arith.constant 15 : i32
          %add3A_326 = arith.addi %sub3A_324, %add3A_325 : i32
          %jit3A_327 = arith.constant 16 : i32
          %div3A_328 = arith.divsi %add3A_326, %jit3A_327 : i32
          %sign3A_329 = arith.constant 0 : i32
          %sign3A_330 = arith.cmpi sgt, %add3A_326, %sign3A_329 : i32
          %sign3A_331 = arith.extui %sign3A_330 : i1 to i32
          %sign3A_332 = arith.constant 0 : i32
          %sign3A_333 = arith.cmpi slt, %add3A_326, %sign3A_332 : i32
          %sign3A_334 = arith.extui %sign3A_333 : i1 to i32
          %sign3A_335 = arith.subi %sign3A_331, %sign3A_334 : i32
          %sign3A_336 = arith.constant 0 : i32
          %sign3A_337 = arith.cmpi sgt, %jit3A_327, %sign3A_336 : i32
          %sign3A_338 = arith.extui %sign3A_337 : i1 to i32
          %sign3A_339 = arith.constant 0 : i32
          %sign3A_340 = arith.cmpi slt, %jit3A_327, %sign3A_339 : i32
          %sign3A_341 = arith.extui %sign3A_340 : i1 to i32
          %sign3A_342 = arith.subi %sign3A_338, %sign3A_341 : i32
          %ne3A_343 = arith.cmpi ne, %sign3A_335, %sign3A_342 : i32
          %rem3A_344 = arith.remsi %add3A_326, %jit3A_327 : i32
          %ne3A_345 = arith.constant 0 : i32
          %ne3A_346 = arith.cmpi ne, %rem3A_344, %ne3A_345 : i32
          %and3A_347 = arith.andi %ne3A_343, %ne3A_346 : i1
          %sub3A_348 = arith.constant 1 : i32
          %sub3A_349 = arith.subi %div3A_328, %sub3A_348 : i32
          %select_n3A_350 = arith.select %and3A_347, %sub3A_349, %div3A_328 : i32
          %while3A_351 = arith.constant 0 : i32
          %while3A_352 = arith.constant 0 : i32
          %while3A_353 = arith.subi %select_n3A_350, %while3A_352 : i32
          %while3A_354 = arith.addi %while3A_352, %while3A_353 : i32
          %while3A_355 = arith.constant 1 : i32
          %while3A_356 = arith.divsi %while3A_353, %while3A_355 : i32
          %while3A_357 = arith.muli %while3A_356, %while3A_355 : i32
          %while3A_358 = arith.addi %while3A_352, %while3A_357 : i32
          %while3A_359 = arith.constant 1 : i32
          scf.for %while3A_428 = %while3A_352 to %while3A_358 step %while3A_359  : i32 {
            %mul3A_429 = arith.constant 16 : i32
            %mul3A_430 = arith.muli %while3A_428, %mul3A_429 : i32
            %add3A_431 = arith.addi %squeeze3A_321, %mul3A_430 : i32
            %add3A_432 = vector.broadcast %add3A_431 : i32 to vector<16xi32>
            %add3A_433 = arith.addi %add3A_432, %iota3A : vector<16xi32>
            %lt3A_434 = vector.broadcast %squeeze3A_323 : i32 to vector<16xi32>
            %lt3A_435 = arith.cmpi slt, %add3A_433, %lt3A_434 : vector<16xi32>
            %min3A_436 = arith.constant 4095 : i32
            %min3A_437 = vector.broadcast %min3A_436 : i32 to vector<16xi32>
            %min3A_438 = arith.minsi %add3A_433, %min3A_437 : vector<16xi32>
            %gather3A_439 = tpu.vector_load_idx %arg12[%min3A_438] : memref<4096xi32, #tpu.memory_space<vmem>>[vector<16xi32>], vector<16xi32>,
            %sub3A_440 = vector.broadcast %mul3A_313 : i32 to vector<16xi32>
            %sub3A_441 = arith.subi %gather3A_439, %sub3A_440 : vector<16xi32>
            %jit3A_442 = arith.constant 0 : i32
            %jit3A_443 = arith.constant 4095 : i32
            %max3A = vector.broadcast %jit3A_442 : i32 to vector<16xi32>
            %max3A_444 = arith.maxsi %max3A, %sub3A_441 : vector<16xi32>
            %min3A_445 = vector.broadcast %jit3A_443 : i32 to vector<16xi32>
            %min3A_446 = arith.minsi %min3A_445, %max3A_444 : vector<16xi32>
            %gather3A_447 = tpu.vector_load_idx %arg13[%min3A_438] : memref<4096xi32, #tpu.memory_space<vmem>>[vector<16xi32>], vector<16xi32>,
            %broadcast_in_dim3A = arith.constant 0 : i32
            %broadcast_in_dim3A_448 = vector.broadcast %broadcast_in_dim3A : i32 to vector<16xi32>
            %gather3A_449 = tpu.vector_load_idx %arg16[%broadcast_in_dim3A_448, %min3A_446] : memref<8x4096xf32, #tpu.memory_space<vmem>>[vector<16xi32>, vector<16xi32>], vector<16xf32>,
            tpu.vector_store_idx %arg18[%broadcast_in_dim3A_448, %gather3A_447], %gather3A_449 masked %lt3A_435 : memref<8x4096xf32, #tpu.memory_space<vmem>>[vector<16xi32>, vector<16xi32>], vector<16xf32>, vector<16xi1>
            %broadcast_in_dim3A_450 = arith.constant 1 : i32
            %broadcast_in_dim3A_451 = vector.broadcast %broadcast_in_dim3A_450 : i32 to vector<16xi32>
            %gather3A_452 = tpu.vector_load_idx %arg16[%broadcast_in_dim3A_451, %min3A_446] : memref<8x4096xf32, #tpu.memory_space<vmem>>[vector<16xi32>, vector<16xi32>], vector<16xf32>,
            tpu.vector_store_idx %arg18[%broadcast_in_dim3A_451, %gather3A_447], %gather3A_452 masked %lt3A_435 : memref<8x4096xf32, #tpu.memory_space<vmem>>[vector<16xi32>, vector<16xi32>], vector<16xf32>, vector<16xi1>
            %broadcast_in_dim3A_453 = arith.constant 2 : i32
            %broadcast_in_dim3A_454 = vector.broadcast %broadcast_in_dim3A_453 : i32 to vector<16xi32>
            %gather3A_455 = tpu.vector_load_idx %arg16[%broadcast_in_dim3A_454, %min3A_446] : memref<8x4096xf32, #tpu.memory_space<vmem>>[vector<16xi32>, vector<16xi32>], vector<16xf32>,
            tpu.vector_store_idx %arg18[%broadcast_in_dim3A_454, %gather3A_447], %gather3A_455 masked %lt3A_435 : memref<8x4096xf32, #tpu.memory_space<vmem>>[vector<16xi32>, vector<16xi32>], vector<16xf32>, vector<16xi1>
            %broadcast_in_dim3A_456 = arith.constant 3 : i32
            %broadcast_in_dim3A_457 = vector.broadcast %broadcast_in_dim3A_456 : i32 to vector<16xi32>
            %gather3A_458 = tpu.vector_load_idx %arg16[%broadcast_in_dim3A_457, %min3A_446] : memref<8x4096xf32, #tpu.memory_space<vmem>>[vector<16xi32>, vector<16xi32>], vector<16xf32>,
            tpu.vector_store_idx %arg18[%broadcast_in_dim3A_457, %gather3A_447], %gather3A_458 masked %lt3A_435 : memref<8x4096xf32, #tpu.memory_space<vmem>>[vector<16xi32>, vector<16xi32>], vector<16xf32>, vector<16xi1>
            %broadcast_in_dim3A_459 = arith.constant 4 : i32
            %broadcast_in_dim3A_460 = vector.broadcast %broadcast_in_dim3A_459 : i32 to vector<16xi32>
            %gather3A_461 = tpu.vector_load_idx %arg16[%broadcast_in_dim3A_460, %min3A_446] : memref<8x4096xf32, #tpu.memory_space<vmem>>[vector<16xi32>, vector<16xi32>], vector<16xf32>,
            tpu.vector_store_idx %arg18[%broadcast_in_dim3A_460, %gather3A_447], %gather3A_461 masked %lt3A_435 : memref<8x4096xf32, #tpu.memory_space<vmem>>[vector<16xi32>, vector<16xi32>], vector<16xf32>, vector<16xi1>
            %broadcast_in_dim3A_462 = arith.constant 5 : i32
            %broadcast_in_dim3A_463 = vector.broadcast %broadcast_in_dim3A_462 : i32 to vector<16xi32>
            %gather3A_464 = tpu.vector_load_idx %arg16[%broadcast_in_dim3A_463, %min3A_446] : memref<8x4096xf32, #tpu.memory_space<vmem>>[vector<16xi32>, vector<16xi32>], vector<16xf32>,
            tpu.vector_store_idx %arg18[%broadcast_in_dim3A_463, %gather3A_447], %gather3A_464 masked %lt3A_435 : memref<8x4096xf32, #tpu.memory_space<vmem>>[vector<16xi32>, vector<16xi32>], vector<16xf32>, vector<16xi1>
            %broadcast_in_dim3A_465 = arith.constant 6 : i32
            %broadcast_in_dim3A_466 = vector.broadcast %broadcast_in_dim3A_465 : i32 to vector<16xi32>
            %gather3A_467 = tpu.vector_load_idx %arg16[%broadcast_in_dim3A_466, %min3A_446] : memref<8x4096xf32, #tpu.memory_space<vmem>>[vector<16xi32>, vector<16xi32>], vector<16xf32>,
            tpu.vector_store_idx %arg18[%broadcast_in_dim3A_466, %gather3A_447], %gather3A_467 masked %lt3A_435 : memref<8x4096xf32, #tpu.memory_space<vmem>>[vector<16xi32>, vector<16xi32>], vector<16xf32>, vector<16xi1>
            %broadcast_in_dim3A_468 = arith.constant 7 : i32
            %broadcast_in_dim3A_469 = vector.broadcast %broadcast_in_dim3A_468 : i32 to vector<16xi32>
            %gather3A_470 = tpu.vector_load_idx %arg16[%broadcast_in_dim3A_469, %min3A_446] : memref<8x4096xf32, #tpu.memory_space<vmem>>[vector<16xi32>, vector<16xi32>], vector<16xf32>,
            tpu.vector_store_idx %arg18[%broadcast_in_dim3A_469, %gather3A_447], %gather3A_470 masked %lt3A_435 : memref<8x4096xf32, #tpu.memory_space<vmem>>[vector<16xi32>, vector<16xi32>], vector<16xf32>, vector<16xi1>
          }
          %while3A_360 = arith.constant 1 : i32
          scf.for %while3A_428 = %while3A_358 to %while3A_354 step %while3A_360  : i32 {
            %mul3A_429 = arith.constant 16 : i32
            %mul3A_430 = arith.muli %while3A_428, %mul3A_429 : i32
            %add3A_431 = arith.addi %squeeze3A_321, %mul3A_430 : i32
            %add3A_432 = vector.broadcast %add3A_431 : i32 to vector<16xi32>
            %add3A_433 = arith.addi %add3A_432, %iota3A : vector<16xi32>
            %lt3A_434 = vector.broadcast %squeeze3A_323 : i32 to vector<16xi32>
            %lt3A_435 = arith.cmpi slt, %add3A_433, %lt3A_434 : vector<16xi32>
            %min3A_436 = arith.constant 4095 : i32
            %min3A_437 = vector.broadcast %min3A_436 : i32 to vector<16xi32>
            %min3A_438 = arith.minsi %add3A_433, %min3A_437 : vector<16xi32>
            %gather3A_439 = tpu.vector_load_idx %arg12[%min3A_438] : memref<4096xi32, #tpu.memory_space<vmem>>[vector<16xi32>], vector<16xi32>,
            %sub3A_440 = vector.broadcast %mul3A_313 : i32 to vector<16xi32>
            %sub3A_441 = arith.subi %gather3A_439, %sub3A_440 : vector<16xi32>
            %jit3A_442 = arith.constant 0 : i32
            %jit3A_443 = arith.constant 4095 : i32
            %max3A = vector.broadcast %jit3A_442 : i32 to vector<16xi32>
            %max3A_444 = arith.maxsi %max3A, %sub3A_441 : vector<16xi32>
            %min3A_445 = vector.broadcast %jit3A_443 : i32 to vector<16xi32>
            %min3A_446 = arith.minsi %min3A_445, %max3A_444 : vector<16xi32>
            %gather3A_447 = tpu.vector_load_idx %arg13[%min3A_438] : memref<4096xi32, #tpu.memory_space<vmem>>[vector<16xi32>], vector<16xi32>,
            %broadcast_in_dim3A = arith.constant 0 : i32
            %broadcast_in_dim3A_448 = vector.broadcast %broadcast_in_dim3A : i32 to vector<16xi32>
            %gather3A_449 = tpu.vector_load_idx %arg16[%broadcast_in_dim3A_448, %min3A_446] : memref<8x4096xf32, #tpu.memory_space<vmem>>[vector<16xi32>, vector<16xi32>], vector<16xf32>,
            tpu.vector_store_idx %arg18[%broadcast_in_dim3A_448, %gather3A_447], %gather3A_449 masked %lt3A_435 : memref<8x4096xf32, #tpu.memory_space<vmem>>[vector<16xi32>, vector<16xi32>], vector<16xf32>, vector<16xi1>
            %broadcast_in_dim3A_450 = arith.constant 1 : i32
            %broadcast_in_dim3A_451 = vector.broadcast %broadcast_in_dim3A_450 : i32 to vector<16xi32>
            %gather3A_452 = tpu.vector_load_idx %arg16[%broadcast_in_dim3A_451, %min3A_446] : memref<8x4096xf32, #tpu.memory_space<vmem>>[vector<16xi32>, vector<16xi32>], vector<16xf32>,
            tpu.vector_store_idx %arg18[%broadcast_in_dim3A_451, %gather3A_447], %gather3A_452 masked %lt3A_435 : memref<8x4096xf32, #tpu.memory_space<vmem>>[vector<16xi32>, vector<16xi32>], vector<16xf32>, vector<16xi1>
            %broadcast_in_dim3A_453 = arith.constant 2 : i32
            %broadcast_in_dim3A_454 = vector.broadcast %broadcast_in_dim3A_453 : i32 to vector<16xi32>
            %gather3A_455 = tpu.vector_load_idx %arg16[%broadcast_in_dim3A_454, %min3A_446] : memref<8x4096xf32, #tpu.memory_space<vmem>>[vector<16xi32>, vector<16xi32>], vector<16xf32>,
            tpu.vector_store_idx %arg18[%broadcast_in_dim3A_454, %gather3A_447], %gather3A_455 masked %lt3A_435 : memref<8x4096xf32, #tpu.memory_space<vmem>>[vector<16xi32>, vector<16xi32>], vector<16xf32>, vector<16xi1>
            %broadcast_in_dim3A_456 = arith.constant 3 : i32
            %broadcast_in_dim3A_457 = vector.broadcast %broadcast_in_dim3A_456 : i32 to vector<16xi32>
            %gather3A_458 = tpu.vector_load_idx %arg16[%broadcast_in_dim3A_457, %min3A_446] : memref<8x4096xf32, #tpu.memory_space<vmem>>[vector<16xi32>, vector<16xi32>], vector<16xf32>,
            tpu.vector_store_idx %arg18[%broadcast_in_dim3A_457, %gather3A_447], %gather3A_458 masked %lt3A_435 : memref<8x4096xf32, #tpu.memory_space<vmem>>[vector<16xi32>, vector<16xi32>], vector<16xf32>, vector<16xi1>
            %broadcast_in_dim3A_459 = arith.constant 4 : i32
            %broadcast_in_dim3A_460 = vector.broadcast %broadcast_in_dim3A_459 : i32 to vector<16xi32>
            %gather3A_461 = tpu.vector_load_idx %arg16[%broadcast_in_dim3A_460, %min3A_446] : memref<8x4096xf32, #tpu.memory_space<vmem>>[vector<16xi32>, vector<16xi32>], vector<16xf32>,
            tpu.vector_store_idx %arg18[%broadcast_in_dim3A_460, %gather3A_447], %gather3A_461 masked %lt3A_435 : memref<8x4096xf32, #tpu.memory_space<vmem>>[vector<16xi32>, vector<16xi32>], vector<16xf32>, vector<16xi1>
            %broadcast_in_dim3A_462 = arith.constant 5 : i32
            %broadcast_in_dim3A_463 = vector.broadcast %broadcast_in_dim3A_462 : i32 to vector<16xi32>
            %gather3A_464 = tpu.vector_load_idx %arg16[%broadcast_in_dim3A_463, %min3A_446] : memref<8x4096xf32, #tpu.memory_space<vmem>>[vector<16xi32>, vector<16xi32>], vector<16xf32>,
            tpu.vector_store_idx %arg18[%broadcast_in_dim3A_463, %gather3A_447], %gather3A_464 masked %lt3A_435 : memref<8x4096xf32, #tpu.memory_space<vmem>>[vector<16xi32>, vector<16xi32>], vector<16xf32>, vector<16xi1>
            %broadcast_in_dim3A_465 = arith.constant 6 : i32
            %broadcast_in_dim3A_466 = vector.broadcast %broadcast_in_dim3A_465 : i32 to vector<16xi32>
            %gather3A_467 = tpu.vector_load_idx %arg16[%broadcast_in_dim3A_466, %min3A_446] : memref<8x4096xf32, #tpu.memory_space<vmem>>[vector<16xi32>, vector<16xi32>], vector<16xf32>,
            tpu.vector_store_idx %arg18[%broadcast_in_dim3A_466, %gather3A_447], %gather3A_467 masked %lt3A_435 : memref<8x4096xf32, #tpu.memory_space<vmem>>[vector<16xi32>, vector<16xi32>], vector<16xf32>, vector<16xi1>
            %broadcast_in_dim3A_468 = arith.constant 7 : i32
            %broadcast_in_dim3A_469 = vector.broadcast %broadcast_in_dim3A_468 : i32 to vector<16xi32>
            %gather3A_470 = tpu.vector_load_idx %arg16[%broadcast_in_dim3A_469, %min3A_446] : memref<8x4096xf32, #tpu.memory_space<vmem>>[vector<16xi32>, vector<16xi32>], vector<16xf32>,
            tpu.vector_store_idx %arg18[%broadcast_in_dim3A_469, %gather3A_447], %gather3A_470 masked %lt3A_435 : memref<8x4096xf32, #tpu.memory_space<vmem>>[vector<16xi32>, vector<16xi32>], vector<16xf32>, vector<16xi1>
          }
          %lt3A_361 = arith.constant 11 : i32
          %lt3A_362 = arith.cmpi slt, %scan3A_291, %lt3A_361 : i32
          %convert_element_type3A_363 = arith.extui %lt3A_362 : i1 to i32
          %cond3A_364 = arith.constant 0 : i32
          %cond3A_365 = arith.cmpi ne, %convert_element_type3A_363, %cond3A_364 : i32
          scf.if %cond3A_365 {
            %add3A_428 = arith.constant 2 : i32
            %add3A_429 = arith.addi %mul3A_293, %add3A_428 : i32
            %mul3A_430 = arith.constant 4096 : i32
            %mul3A_431 = arith.muli %add3A_429, %mul3A_430 : i32
            %multiple_of3A_432 = tpu.assume_multiple %mul3A_431, 128 : i32
            %dma_start3A_433 = tpu.memref_slice %arg7[%select_n3A, %multiple_of3A, %multiple_of3A_432] : memref<26x32x100000xf32, #tpu.memory_space<hbm>> -> memref<1x8x4096xf32, #tpu.memory_space<hbm>>
            %dma_start3A_434 = tpu.memref_squeeze %dma_start3A_433 : memref<1x8x4096xf32, #tpu.memory_space<hbm>> -> memref<8x4096xf32, #tpu.memory_space<hbm>>
            %dma_start3A_435 = tpu.memref_slice %arg7[%select_n3A, %multiple_of3A, %multiple_of3A_432] : memref<26x32x100000xf32, #tpu.memory_space<hbm>> -> memref<1x8x4096xf32, #tpu.memory_space<hbm>>
            %dma_start3A_436 = tpu.memref_squeeze %dma_start3A_435 : memref<1x8x4096xf32, #tpu.memory_space<hbm>> -> memref<8x4096xf32, #tpu.memory_space<hbm>>
            tpu.enqueue_dma source(%dma_start3A_436 : memref<8x4096xf32, #tpu.memory_space<hbm>>) target(%arg16 : memref<8x4096xf32, #tpu.memory_space<vmem>>) target_semaphore(%arg23 : memref<!tpu.dma_semaphore, #tpu.memory_space<semaphore_mem>>)
          } else {
          }
          %dma_wait3A_366 = arith.constant 0 : i32
          %dma_wait3A_367 = arith.constant 0 : i32
          %dma_wait3A_368 = arith.constant 0 : i32
          %dma_wait3A_369 = tpu.memref_slice %arg7[%dma_wait3A_366, %dma_wait3A_367, %dma_wait3A_368] : memref<26x32x100000xf32, #tpu.memory_space<hbm>> -> memref<1x8x4096xf32, #tpu.memory_space<hbm>>
          %dma_wait3A_370 = tpu.memref_squeeze %dma_wait3A_369 : memref<1x8x4096xf32, #tpu.memory_space<hbm>> -> memref<8x4096xf32, #tpu.memory_space<hbm>>
          %dma_wait3A_371 = arith.constant 0 : i32
          %dma_wait3A_372 = arith.constant 0 : i32
          %dma_wait3A_373 = tpu.memref_slice %arg7[%dma_wait3A_366, %dma_wait3A_371, %dma_wait3A_372] : memref<26x32x100000xf32, #tpu.memory_space<hbm>> -> memref<1x8x4096xf32, #tpu.memory_space<hbm>>
          %dma_wait3A_374 = tpu.memref_squeeze %dma_wait3A_373 : memref<1x8x4096xf32, #tpu.memory_space<hbm>> -> memref<8x4096xf32, #tpu.memory_space<hbm>>
          tpu.wait_dma2 semaphore(%arg24 : memref<!tpu.dma_semaphore, #tpu.memory_space<semaphore_mem>>) src(%dma_wait3A_374 : memref<8x4096xf32, #tpu.memory_space<hbm>>) dst(%arg17 : memref<8x4096xf32, #tpu.memory_space<vmem>>)
          %add3A_375 = arith.constant 1 : i32
          %add3A_376 = arith.addi %mul3A_293, %add3A_375 : i32
          %add3A_377 = arith.constant 1 : i32
          %add3A_378 = arith.addi %mul3A_293, %add3A_377 : i32
          %mul3A_379 = arith.constant 4096 : i32
          %mul3A_380 = arith.muli %add3A_378, %mul3A_379 : i32
          %add3A_381 = vector.broadcast %add3A_376 : i32 to vector<16xi32>
          %add3A_382 = arith.addi %add3A_381, %iota3A : vector<16xi32>
          %min3A_383 = arith.constant 63 : i32
          %min3A_384 = vector.broadcast %min3A_383 : i32 to vector<16xi32>
          %min3A_385 = arith.minsi %add3A_382, %min3A_384 : vector<16xi32>
          %gather3A_386 = tpu.vector_load_idx %arg14[%min3A_385] : memref<64xi32, #tpu.memory_space<vmem>>[vector<16xi32>], vector<16xi32>,
          %slice3A_387 = vector.extract_strided_slice %gather3A_386 {offsets = [0], sizes = [1], strides = [1]} : vector<16xi32> to vector<1xi32>
          %squeeze3A_388 = vector.extract %slice3A_387[0] : i32 from vector<1xi32>
          %slice3A_389 = vector.extract_strided_slice %gather3A_386 {offsets = [1], sizes = [1], strides = [1]} : vector<16xi32> to vector<1xi32>
          %squeeze3A_390 = vector.extract %slice3A_389[0] : i32 from vector<1xi32>
          %sub3A_391 = arith.subi %squeeze3A_390, %squeeze3A_388 : i32
          %add3A_392 = arith.constant 15 : i32
          %add3A_393 = arith.addi %sub3A_391, %add3A_392 : i32
          %jit3A_394 = arith.constant 16 : i32
          %div3A_395 = arith.divsi %add3A_393, %jit3A_394 : i32
          %sign3A_396 = arith.constant 0 : i32
          %sign3A_397 = arith.cmpi sgt, %add3A_393, %sign3A_396 : i32
          %sign3A_398 = arith.extui %sign3A_397 : i1 to i32
          %sign3A_399 = arith.constant 0 : i32
          %sign3A_400 = arith.cmpi slt, %add3A_393, %sign3A_399 : i32
          %sign3A_401 = arith.extui %sign3A_400 : i1 to i32
          %sign3A_402 = arith.subi %sign3A_398, %sign3A_401 : i32
          %sign3A_403 = arith.constant 0 : i32
          %sign3A_404 = arith.cmpi sgt, %jit3A_394, %sign3A_403 : i32
          %sign3A_405 = arith.extui %sign3A_404 : i1 to i32
          %sign3A_406 = arith.constant 0 : i32
          %sign3A_407 = arith.cmpi slt, %jit3A_394, %sign3A_406 : i32
          %sign3A_408 = arith.extui %sign3A_407 : i1 to i32
          %sign3A_409 = arith.subi %sign3A_405, %sign3A_408 : i32
          %ne3A_410 = arith.cmpi ne, %sign3A_402, %sign3A_409 : i32
          %rem3A_411 = arith.remsi %add3A_393, %jit3A_394 : i32
          %ne3A_412 = arith.constant 0 : i32
          %ne3A_413 = arith.cmpi ne, %rem3A_411, %ne3A_412 : i32
          %and3A_414 = arith.andi %ne3A_410, %ne3A_413 : i1
          %sub3A_415 = arith.constant 1 : i32
          %sub3A_416 = arith.subi %div3A_395, %sub3A_415 : i32
          %select_n3A_417 = arith.select %and3A_414, %sub3A_416, %div3A_395 : i32
          %while3A_418 = arith.constant 0 : i32
          %while3A_419 = arith.constant 0 : i32
          %while3A_420 = arith.subi %select_n3A_417, %while3A_419 : i32
          %while3A_421 = arith.addi %while3A_419, %while3A_420 : i32
          %while3A_422 = arith.constant 1 : i32
          %while3A_423 = arith.divsi %while3A_420, %while3A_422 : i32
          %while3A_424 = arith.muli %while3A_423, %while3A_422 : i32
          %while3A_425 = arith.addi %while3A_419, %while3A_424 : i32
          %while3A_426 = arith.constant 1 : i32
          scf.for %while3A_428 = %while3A_419 to %while3A_425 step %while3A_426  : i32 {
            %mul3A_429 = arith.constant 16 : i32
            %mul3A_430 = arith.muli %while3A_428, %mul3A_429 : i32
            %add3A_431 = arith.addi %squeeze3A_388, %mul3A_430 : i32
            %add3A_432 = vector.broadcast %add3A_431 : i32 to vector<16xi32>
            %add3A_433 = arith.addi %add3A_432, %iota3A : vector<16xi32>
            %lt3A_434 = vector.broadcast %squeeze3A_390 : i32 to vector<16xi32>
            %lt3A_435 = arith.cmpi slt, %add3A_433, %lt3A_434 : vector<16xi32>
            %min3A_436 = arith.constant 4095 : i32
            %min3A_437 = vector.broadcast %min3A_436 : i32 to vector<16xi32>
            %min3A_438 = arith.minsi %add3A_433, %min3A_437 : vector<16xi32>
            %gather3A_439 = tpu.vector_load_idx %arg12[%min3A_438] : memref<4096xi32, #tpu.memory_space<vmem>>[vector<16xi32>], vector<16xi32>,
            %sub3A_440 = vector.broadcast %mul3A_380 : i32 to vector<16xi32>
            %sub3A_441 = arith.subi %gather3A_439, %sub3A_440 : vector<16xi32>
            %jit3A_442 = arith.constant 0 : i32
            %jit3A_443 = arith.constant 4095 : i32
            %max3A = vector.broadcast %jit3A_442 : i32 to vector<16xi32>
            %max3A_444 = arith.maxsi %max3A, %sub3A_441 : vector<16xi32>
            %min3A_445 = vector.broadcast %jit3A_443 : i32 to vector<16xi32>
            %min3A_446 = arith.minsi %min3A_445, %max3A_444 : vector<16xi32>
            %gather3A_447 = tpu.vector_load_idx %arg13[%min3A_438] : memref<4096xi32, #tpu.memory_space<vmem>>[vector<16xi32>], vector<16xi32>,
            %broadcast_in_dim3A = arith.constant 0 : i32
            %broadcast_in_dim3A_448 = vector.broadcast %broadcast_in_dim3A : i32 to vector<16xi32>
            %gather3A_449 = tpu.vector_load_idx %arg17[%broadcast_in_dim3A_448, %min3A_446] : memref<8x4096xf32, #tpu.memory_space<vmem>>[vector<16xi32>, vector<16xi32>], vector<16xf32>,
            tpu.vector_store_idx %arg18[%broadcast_in_dim3A_448, %gather3A_447], %gather3A_449 masked %lt3A_435 : memref<8x4096xf32, #tpu.memory_space<vmem>>[vector<16xi32>, vector<16xi32>], vector<16xf32>, vector<16xi1>
            %broadcast_in_dim3A_450 = arith.constant 1 : i32
            %broadcast_in_dim3A_451 = vector.broadcast %broadcast_in_dim3A_450 : i32 to vector<16xi32>
            %gather3A_452 = tpu.vector_load_idx %arg17[%broadcast_in_dim3A_451, %min3A_446] : memref<8x4096xf32, #tpu.memory_space<vmem>>[vector<16xi32>, vector<16xi32>], vector<16xf32>,
            tpu.vector_store_idx %arg18[%broadcast_in_dim3A_451, %gather3A_447], %gather3A_452 masked %lt3A_435 : memref<8x4096xf32, #tpu.memory_space<vmem>>[vector<16xi32>, vector<16xi32>], vector<16xf32>, vector<16xi1>
            %broadcast_in_dim3A_453 = arith.constant 2 : i32
            %broadcast_in_dim3A_454 = vector.broadcast %broadcast_in_dim3A_453 : i32 to vector<16xi32>
            %gather3A_455 = tpu.vector_load_idx %arg17[%broadcast_in_dim3A_454, %min3A_446] : memref<8x4096xf32, #tpu.memory_space<vmem>>[vector<16xi32>, vector<16xi32>], vector<16xf32>,
            tpu.vector_store_idx %arg18[%broadcast_in_dim3A_454, %gather3A_447], %gather3A_455 masked %lt3A_435 : memref<8x4096xf32, #tpu.memory_space<vmem>>[vector<16xi32>, vector<16xi32>], vector<16xf32>, vector<16xi1>
            %broadcast_in_dim3A_456 = arith.constant 3 : i32
            %broadcast_in_dim3A_457 = vector.broadcast %broadcast_in_dim3A_456 : i32 to vector<16xi32>
            %gather3A_458 = tpu.vector_load_idx %arg17[%broadcast_in_dim3A_457, %min3A_446] : memref<8x4096xf32, #tpu.memory_space<vmem>>[vector<16xi32>, vector<16xi32>], vector<16xf32>,
            tpu.vector_store_idx %arg18[%broadcast_in_dim3A_457, %gather3A_447], %gather3A_458 masked %lt3A_435 : memref<8x4096xf32, #tpu.memory_space<vmem>>[vector<16xi32>, vector<16xi32>], vector<16xf32>, vector<16xi1>
            %broadcast_in_dim3A_459 = arith.constant 4 : i32
            %broadcast_in_dim3A_460 = vector.broadcast %broadcast_in_dim3A_459 : i32 to vector<16xi32>
            %gather3A_461 = tpu.vector_load_idx %arg17[%broadcast_in_dim3A_460, %min3A_446] : memref<8x4096xf32, #tpu.memory_space<vmem>>[vector<16xi32>, vector<16xi32>], vector<16xf32>,
            tpu.vector_store_idx %arg18[%broadcast_in_dim3A_460, %gather3A_447], %gather3A_461 masked %lt3A_435 : memref<8x4096xf32, #tpu.memory_space<vmem>>[vector<16xi32>, vector<16xi32>], vector<16xf32>, vector<16xi1>
            %broadcast_in_dim3A_462 = arith.constant 5 : i32
            %broadcast_in_dim3A_463 = vector.broadcast %broadcast_in_dim3A_462 : i32 to vector<16xi32>
            %gather3A_464 = tpu.vector_load_idx %arg17[%broadcast_in_dim3A_463, %min3A_446] : memref<8x4096xf32, #tpu.memory_space<vmem>>[vector<16xi32>, vector<16xi32>], vector<16xf32>,
            tpu.vector_store_idx %arg18[%broadcast_in_dim3A_463, %gather3A_447], %gather3A_464 masked %lt3A_435 : memref<8x4096xf32, #tpu.memory_space<vmem>>[vector<16xi32>, vector<16xi32>], vector<16xf32>, vector<16xi1>
            %broadcast_in_dim3A_465 = arith.constant 6 : i32
            %broadcast_in_dim3A_466 = vector.broadcast %broadcast_in_dim3A_465 : i32 to vector<16xi32>
            %gather3A_467 = tpu.vector_load_idx %arg17[%broadcast_in_dim3A_466, %min3A_446] : memref<8x4096xf32, #tpu.memory_space<vmem>>[vector<16xi32>, vector<16xi32>], vector<16xf32>,
            tpu.vector_store_idx %arg18[%broadcast_in_dim3A_466, %gather3A_447], %gather3A_467 masked %lt3A_435 : memref<8x4096xf32, #tpu.memory_space<vmem>>[vector<16xi32>, vector<16xi32>], vector<16xf32>, vector<16xi1>
            %broadcast_in_dim3A_468 = arith.constant 7 : i32
            %broadcast_in_dim3A_469 = vector.broadcast %broadcast_in_dim3A_468 : i32 to vector<16xi32>
            %gather3A_470 = tpu.vector_load_idx %arg17[%broadcast_in_dim3A_469, %min3A_446] : memref<8x4096xf32, #tpu.memory_space<vmem>>[vector<16xi32>, vector<16xi32>], vector<16xf32>,
            tpu.vector_store_idx %arg18[%broadcast_in_dim3A_469, %gather3A_447], %gather3A_470 masked %lt3A_435 : memref<8x4096xf32, #tpu.memory_space<vmem>>[vector<16xi32>, vector<16xi32>], vector<16xf32>, vector<16xi1>
          }
          %while3A_427 = arith.constant 1 : i32
          scf.for %while3A_428 = %while3A_425 to %while3A_421 step %while3A_427  : i32 {
            %mul3A_429 = arith.constant 16 : i32
            %mul3A_430 = arith.muli %while3A_428, %mul3A_429 : i32
            %add3A_431 = arith.addi %squeeze3A_388, %mul3A_430 : i32
            %add3A_432 = vector.broadcast %add3A_431 : i32 to vector<16xi32>
            %add3A_433 = arith.addi %add3A_432, %iota3A : vector<16xi32>
            %lt3A_434 = vector.broadcast %squeeze3A_390 : i32 to vector<16xi32>
            %lt3A_435 = arith.cmpi slt, %add3A_433, %lt3A_434 : vector<16xi32>
            %min3A_436 = arith.constant 4095 : i32
            %min3A_437 = vector.broadcast %min3A_436 : i32 to vector<16xi32>
            %min3A_438 = arith.minsi %add3A_433, %min3A_437 : vector<16xi32>
            %gather3A_439 = tpu.vector_load_idx %arg12[%min3A_438] : memref<4096xi32, #tpu.memory_space<vmem>>[vector<16xi32>], vector<16xi32>,
            %sub3A_440 = vector.broadcast %mul3A_380 : i32 to vector<16xi32>
            %sub3A_441 = arith.subi %gather3A_439, %sub3A_440 : vector<16xi32>
            %jit3A_442 = arith.constant 0 : i32
            %jit3A_443 = arith.constant 4095 : i32
            %max3A = vector.broadcast %jit3A_442 : i32 to vector<16xi32>
            %max3A_444 = arith.maxsi %max3A, %sub3A_441 : vector<16xi32>
            %min3A_445 = vector.broadcast %jit3A_443 : i32 to vector<16xi32>
            %min3A_446 = arith.minsi %min3A_445, %max3A_444 : vector<16xi32>
            %gather3A_447 = tpu.vector_load_idx %arg13[%min3A_438] : memref<4096xi32, #tpu.memory_space<vmem>>[vector<16xi32>], vector<16xi32>,
            %broadcast_in_dim3A = arith.constant 0 : i32
            %broadcast_in_dim3A_448 = vector.broadcast %broadcast_in_dim3A : i32 to vector<16xi32>
            %gather3A_449 = tpu.vector_load_idx %arg17[%broadcast_in_dim3A_448, %min3A_446] : memref<8x4096xf32, #tpu.memory_space<vmem>>[vector<16xi32>, vector<16xi32>], vector<16xf32>,
            tpu.vector_store_idx %arg18[%broadcast_in_dim3A_448, %gather3A_447], %gather3A_449 masked %lt3A_435 : memref<8x4096xf32, #tpu.memory_space<vmem>>[vector<16xi32>, vector<16xi32>], vector<16xf32>, vector<16xi1>
            %broadcast_in_dim3A_450 = arith.constant 1 : i32
            %broadcast_in_dim3A_451 = vector.broadcast %broadcast_in_dim3A_450 : i32 to vector<16xi32>
            %gather3A_452 = tpu.vector_load_idx %arg17[%broadcast_in_dim3A_451, %min3A_446] : memref<8x4096xf32, #tpu.memory_space<vmem>>[vector<16xi32>, vector<16xi32>], vector<16xf32>,
            tpu.vector_store_idx %arg18[%broadcast_in_dim3A_451, %gather3A_447], %gather3A_452 masked %lt3A_435 : memref<8x4096xf32, #tpu.memory_space<vmem>>[vector<16xi32>, vector<16xi32>], vector<16xf32>, vector<16xi1>
            %broadcast_in_dim3A_453 = arith.constant 2 : i32
            %broadcast_in_dim3A_454 = vector.broadcast %broadcast_in_dim3A_453 : i32 to vector<16xi32>
            %gather3A_455 = tpu.vector_load_idx %arg17[%broadcast_in_dim3A_454, %min3A_446] : memref<8x4096xf32, #tpu.memory_space<vmem>>[vector<16xi32>, vector<16xi32>], vector<16xf32>,
            tpu.vector_store_idx %arg18[%broadcast_in_dim3A_454, %gather3A_447], %gather3A_455 masked %lt3A_435 : memref<8x4096xf32, #tpu.memory_space<vmem>>[vector<16xi32>, vector<16xi32>], vector<16xf32>, vector<16xi1>
            %broadcast_in_dim3A_456 = arith.constant 3 : i32
            %broadcast_in_dim3A_457 = vector.broadcast %broadcast_in_dim3A_456 : i32 to vector<16xi32>
            %gather3A_458 = tpu.vector_load_idx %arg17[%broadcast_in_dim3A_457, %min3A_446] : memref<8x4096xf32, #tpu.memory_space<vmem>>[vector<16xi32>, vector<16xi32>], vector<16xf32>,
            tpu.vector_store_idx %arg18[%broadcast_in_dim3A_457, %gather3A_447], %gather3A_458 masked %lt3A_435 : memref<8x4096xf32, #tpu.memory_space<vmem>>[vector<16xi32>, vector<16xi32>], vector<16xf32>, vector<16xi1>
            %broadcast_in_dim3A_459 = arith.constant 4 : i32
            %broadcast_in_dim3A_460 = vector.broadcast %broadcast_in_dim3A_459 : i32 to vector<16xi32>
            %gather3A_461 = tpu.vector_load_idx %arg17[%broadcast_in_dim3A_460, %min3A_446] : memref<8x4096xf32, #tpu.memory_space<vmem>>[vector<16xi32>, vector<16xi32>], vector<16xf32>,
            tpu.vector_store_idx %arg18[%broadcast_in_dim3A_460, %gather3A_447], %gather3A_461 masked %lt3A_435 : memref<8x4096xf32, #tpu.memory_space<vmem>>[vector<16xi32>, vector<16xi32>], vector<16xf32>, vector<16xi1>
            %broadcast_in_dim3A_462 = arith.constant 5 : i32
            %broadcast_in_dim3A_463 = vector.broadcast %broadcast_in_dim3A_462 : i32 to vector<16xi32>
            %gather3A_464 = tpu.vector_load_idx %arg17[%broadcast_in_dim3A_463, %min3A_446] : memref<8x4096xf32, #tpu.memory_space<vmem>>[vector<16xi32>, vector<16xi32>], vector<16xf32>,
            tpu.vector_store_idx %arg18[%broadcast_in_dim3A_463, %gather3A_447], %gather3A_464 masked %lt3A_435 : memref<8x4096xf32, #tpu.memory_space<vmem>>[vector<16xi32>, vector<16xi32>], vector<16xf32>, vector<16xi1>
            %broadcast_in_dim3A_465 = arith.constant 6 : i32
            %broadcast_in_dim3A_466 = vector.broadcast %broadcast_in_dim3A_465 : i32 to vector<16xi32>
            %gather3A_467 = tpu.vector_load_idx %arg17[%broadcast_in_dim3A_466, %min3A_446] : memref<8x4096xf32, #tpu.memory_space<vmem>>[vector<16xi32>, vector<16xi32>], vector<16xf32>,
            tpu.vector_store_idx %arg18[%broadcast_in_dim3A_466, %gather3A_447], %gather3A_467 masked %lt3A_435 : memref<8x4096xf32, #tpu.memory_space<vmem>>[vector<16xi32>, vector<16xi32>], vector<16xf32>, vector<16xi1>
            %broadcast_in_dim3A_468 = arith.constant 7 : i32
            %broadcast_in_dim3A_469 = vector.broadcast %broadcast_in_dim3A_468 : i32 to vector<16xi32>
            %gather3A_470 = tpu.vector_load_idx %arg17[%broadcast_in_dim3A_469, %min3A_446] : memref<8x4096xf32, #tpu.memory_space<vmem>>[vector<16xi32>, vector<16xi32>], vector<16xf32>,
            tpu.vector_store_idx %arg18[%broadcast_in_dim3A_469, %gather3A_447], %gather3A_470 masked %lt3A_435 : memref<8x4096xf32, #tpu.memory_space<vmem>>[vector<16xi32>, vector<16xi32>], vector<16xf32>, vector<16xi1>
          }
        }
        %scan3A_172 = arith.constant 12 : i32
        %multiple_of3A_173 = arith.constant 98304 : i32
        %multiple_of3A_174 = tpu.assume_multiple %multiple_of3A_173, 128 : i32
        %dma_start3A_175 = arith.constant 0 : i32
        %dma_start3A_176 = arith.constant 0 : i32
        %dma_start3A_177 = tpu.memref_slice %arg16[%dma_start3A_175, %dma_start3A_176] : memref<8x4096xf32, #tpu.memory_space<vmem>> -> memref<8x1664xf32, #tpu.memory_space<vmem>>
        %dma_start3A_178 = tpu.memref_slice %arg7[%select_n3A, %multiple_of3A, %multiple_of3A_174] : memref<26x32x100000xf32, #tpu.memory_space<hbm>> -> memref<1x8x1664xf32, #tpu.memory_space<hbm>>
        %dma_start3A_179 = tpu.memref_squeeze %dma_start3A_178 : memref<1x8x1664xf32, #tpu.memory_space<hbm>> -> memref<8x1664xf32, #tpu.memory_space<hbm>>
        %dma_start3A_180 = arith.constant 0 : i32
        %dma_start3A_181 = arith.constant 0 : i32
        %dma_start3A_182 = tpu.memref_slice %arg16[%dma_start3A_180, %dma_start3A_181] : memref<8x4096xf32, #tpu.memory_space<vmem>> -> memref<8x1664xf32, #tpu.memory_space<vmem>>
        %dma_start3A_183 = tpu.memref_slice %arg7[%select_n3A, %multiple_of3A, %multiple_of3A_174] : memref<26x32x100000xf32, #tpu.memory_space<hbm>> -> memref<1x8x1664xf32, #tpu.memory_space<hbm>>
        %dma_start3A_184 = tpu.memref_squeeze %dma_start3A_183 : memref<1x8x1664xf32, #tpu.memory_space<hbm>> -> memref<8x1664xf32, #tpu.memory_space<hbm>>
        tpu.enqueue_dma source(%dma_start3A_184 : memref<8x1664xf32, #tpu.memory_space<hbm>>) target(%dma_start3A_182 : memref<8x1664xf32, #tpu.memory_space<vmem>>) target_semaphore(%arg23 : memref<!tpu.dma_semaphore, #tpu.memory_space<semaphore_mem>>)
        %dma_wait3A = arith.constant 0 : i32
        %dma_wait3A_185 = arith.constant 0 : i32
        %dma_wait3A_186 = tpu.memref_slice %arg16[%dma_wait3A, %dma_wait3A_185] : memref<8x4096xf32, #tpu.memory_space<vmem>> -> memref<8x1664xf32, #tpu.memory_space<vmem>>
        %dma_wait3A_187 = tpu.memref_slice %arg7[%select_n3A, %multiple_of3A, %multiple_of3A_174] : memref<26x32x100000xf32, #tpu.memory_space<hbm>> -> memref<1x8x1664xf32, #tpu.memory_space<hbm>>
        %dma_wait3A_188 = tpu.memref_squeeze %dma_wait3A_187 : memref<1x8x1664xf32, #tpu.memory_space<hbm>> -> memref<8x1664xf32, #tpu.memory_space<hbm>>
        %dma_wait3A_189 = arith.constant 0 : i32
        %dma_wait3A_190 = arith.constant 0 : i32
        %dma_wait3A_191 = tpu.memref_slice %arg16[%dma_wait3A_189, %dma_wait3A_190] : memref<8x4096xf32, #tpu.memory_space<vmem>> -> memref<8x1664xf32, #tpu.memory_space<vmem>>
        %dma_wait3A_192 = tpu.memref_slice %arg7[%select_n3A, %multiple_of3A, %multiple_of3A_174] : memref<26x32x100000xf32, #tpu.memory_space<hbm>> -> memref<1x8x1664xf32, #tpu.memory_space<hbm>>
        %dma_wait3A_193 = tpu.memref_squeeze %dma_wait3A_192 : memref<1x8x1664xf32, #tpu.memory_space<hbm>> -> memref<8x1664xf32, #tpu.memory_space<hbm>>
        tpu.wait_dma2 semaphore(%arg23 : memref<!tpu.dma_semaphore, #tpu.memory_space<semaphore_mem>>) src(%dma_wait3A_193 : memref<8x1664xf32, #tpu.memory_space<hbm>>) dst(%dma_wait3A_191 : memref<8x1664xf32, #tpu.memory_space<vmem>>)
        %add3A_194 = arith.constant 24 : i32
        %add3A_195 = vector.broadcast %add3A_194 : i32 to vector<16xi32>
        %add3A_196 = arith.addi %add3A_195, %iota3A : vector<16xi32>
        %min3A = arith.constant 63 : i32
        %min3A_197 = vector.broadcast %min3A : i32 to vector<16xi32>
        %min3A_198 = arith.minsi %add3A_196, %min3A_197 : vector<16xi32>
        %gather3A = tpu.vector_load_idx %arg14[%min3A_198] : memref<64xi32, #tpu.memory_space<vmem>>[vector<16xi32>], vector<16xi32>,
        %slice3A = vector.extract_strided_slice %gather3A {offsets = [0], sizes = [1], strides = [1]} : vector<16xi32> to vector<1xi32>
        %squeeze3A = vector.extract %slice3A[0] : i32 from vector<1xi32>
        %slice3A_199 = vector.extract_strided_slice %gather3A {offsets = [1], sizes = [1], strides = [1]} : vector<16xi32> to vector<1xi32>
        %squeeze3A_200 = vector.extract %slice3A_199[0] : i32 from vector<1xi32>
        %sub3A_201 = arith.subi %squeeze3A_200, %squeeze3A : i32
        %add3A_202 = arith.constant 15 : i32
        %add3A_203 = arith.addi %sub3A_201, %add3A_202 : i32
        %jit3A_204 = arith.constant 16 : i32
        %div3A_205 = arith.divsi %add3A_203, %jit3A_204 : i32
        %sign3A_206 = arith.constant 0 : i32
        %sign3A_207 = arith.cmpi sgt, %add3A_203, %sign3A_206 : i32
        %sign3A_208 = arith.extui %sign3A_207 : i1 to i32
        %sign3A_209 = arith.constant 0 : i32
        %sign3A_210 = arith.cmpi slt, %add3A_203, %sign3A_209 : i32
        %sign3A_211 = arith.extui %sign3A_210 : i1 to i32
        %sign3A_212 = arith.subi %sign3A_208, %sign3A_211 : i32
        %sign3A_213 = arith.constant 0 : i32
        %sign3A_214 = arith.cmpi sgt, %jit3A_204, %sign3A_213 : i32
        %sign3A_215 = arith.extui %sign3A_214 : i1 to i32
        %sign3A_216 = arith.constant 0 : i32
        %sign3A_217 = arith.cmpi slt, %jit3A_204, %sign3A_216 : i32
        %sign3A_218 = arith.extui %sign3A_217 : i1 to i32
        %sign3A_219 = arith.subi %sign3A_215, %sign3A_218 : i32
        %ne3A_220 = arith.cmpi ne, %sign3A_212, %sign3A_219 : i32
        %rem3A_221 = arith.remsi %add3A_203, %jit3A_204 : i32
        %ne3A_222 = arith.constant 0 : i32
        %ne3A_223 = arith.cmpi ne, %rem3A_221, %ne3A_222 : i32
        %and3A_224 = arith.andi %ne3A_220, %ne3A_223 : i1
        %sub3A_225 = arith.constant 1 : i32
        %sub3A_226 = arith.subi %div3A_205, %sub3A_225 : i32
        %select_n3A_227 = arith.select %and3A_224, %sub3A_226, %div3A_205 : i32
        %while3A = arith.constant 0 : i32
        %while3A_228 = arith.constant 0 : i32
        %while3A_229 = arith.subi %select_n3A_227, %while3A_228 : i32
        %while3A_230 = arith.addi %while3A_228, %while3A_229 : i32
        %while3A_231 = arith.constant 1 : i32
        %while3A_232 = arith.divsi %while3A_229, %while3A_231 : i32
        %while3A_233 = arith.muli %while3A_232, %while3A_231 : i32
        %while3A_234 = arith.addi %while3A_228, %while3A_233 : i32
        %while3A_235 = arith.constant 1 : i32
        scf.for %while3A_291 = %while3A_228 to %while3A_234 step %while3A_235  : i32 {
          %mul3A_292 = arith.constant 16 : i32
          %mul3A_293 = arith.muli %while3A_291, %mul3A_292 : i32
          %add3A_294 = arith.addi %squeeze3A, %mul3A_293 : i32
          %add3A_295 = vector.broadcast %add3A_294 : i32 to vector<16xi32>
          %add3A_296 = arith.addi %add3A_295, %iota3A : vector<16xi32>
          %lt3A_297 = vector.broadcast %squeeze3A_200 : i32 to vector<16xi32>
          %lt3A_298 = arith.cmpi slt, %add3A_296, %lt3A_297 : vector<16xi32>
          %min3A_299 = arith.constant 4095 : i32
          %min3A_300 = vector.broadcast %min3A_299 : i32 to vector<16xi32>
          %min3A_301 = arith.minsi %add3A_296, %min3A_300 : vector<16xi32>
          %gather3A_302 = tpu.vector_load_idx %arg12[%min3A_301] : memref<4096xi32, #tpu.memory_space<vmem>>[vector<16xi32>], vector<16xi32>,
          %sub3A_303 = arith.constant 98304 : i32
          %sub3A_304 = vector.broadcast %sub3A_303 : i32 to vector<16xi32>
          %sub3A_305 = arith.subi %gather3A_302, %sub3A_304 : vector<16xi32>
          %jit3A_306 = arith.constant 0 : i32
          %jit3A_307 = arith.constant 1663 : i32
          %max3A = vector.broadcast %jit3A_306 : i32 to vector<16xi32>
          %max3A_308 = arith.maxsi %max3A, %sub3A_305 : vector<16xi32>
          %min3A_309 = vector.broadcast %jit3A_307 : i32 to vector<16xi32>
          %min3A_310 = arith.minsi %min3A_309, %max3A_308 : vector<16xi32>
          %gather3A_311 = tpu.vector_load_idx %arg13[%min3A_301] : memref<4096xi32, #tpu.memory_space<vmem>>[vector<16xi32>], vector<16xi32>,
          %broadcast_in_dim3A = arith.constant 0 : i32
          %broadcast_in_dim3A_312 = vector.broadcast %broadcast_in_dim3A : i32 to vector<16xi32>
          %gather3A_313 = tpu.vector_load_idx %arg16[%broadcast_in_dim3A_312, %min3A_310] : memref<8x4096xf32, #tpu.memory_space<vmem>>[vector<16xi32>, vector<16xi32>], vector<16xf32>,
          tpu.vector_store_idx %arg18[%broadcast_in_dim3A_312, %gather3A_311], %gather3A_313 masked %lt3A_298 : memref<8x4096xf32, #tpu.memory_space<vmem>>[vector<16xi32>, vector<16xi32>], vector<16xf32>, vector<16xi1>
          %broadcast_in_dim3A_314 = arith.constant 1 : i32
          %broadcast_in_dim3A_315 = vector.broadcast %broadcast_in_dim3A_314 : i32 to vector<16xi32>
          %gather3A_316 = tpu.vector_load_idx %arg16[%broadcast_in_dim3A_315, %min3A_310] : memref<8x4096xf32, #tpu.memory_space<vmem>>[vector<16xi32>, vector<16xi32>], vector<16xf32>,
          tpu.vector_store_idx %arg18[%broadcast_in_dim3A_315, %gather3A_311], %gather3A_316 masked %lt3A_298 : memref<8x4096xf32, #tpu.memory_space<vmem>>[vector<16xi32>, vector<16xi32>], vector<16xf32>, vector<16xi1>
          %broadcast_in_dim3A_317 = arith.constant 2 : i32
          %broadcast_in_dim3A_318 = vector.broadcast %broadcast_in_dim3A_317 : i32 to vector<16xi32>
          %gather3A_319 = tpu.vector_load_idx %arg16[%broadcast_in_dim3A_318, %min3A_310] : memref<8x4096xf32, #tpu.memory_space<vmem>>[vector<16xi32>, vector<16xi32>], vector<16xf32>,
          tpu.vector_store_idx %arg18[%broadcast_in_dim3A_318, %gather3A_311], %gather3A_319 masked %lt3A_298 : memref<8x4096xf32, #tpu.memory_space<vmem>>[vector<16xi32>, vector<16xi32>], vector<16xf32>, vector<16xi1>
          %broadcast_in_dim3A_320 = arith.constant 3 : i32
          %broadcast_in_dim3A_321 = vector.broadcast %broadcast_in_dim3A_320 : i32 to vector<16xi32>
          %gather3A_322 = tpu.vector_load_idx %arg16[%broadcast_in_dim3A_321, %min3A_310] : memref<8x4096xf32, #tpu.memory_space<vmem>>[vector<16xi32>, vector<16xi32>], vector<16xf32>,
          tpu.vector_store_idx %arg18[%broadcast_in_dim3A_321, %gather3A_311], %gather3A_322 masked %lt3A_298 : memref<8x4096xf32, #tpu.memory_space<vmem>>[vector<16xi32>, vector<16xi32>], vector<16xf32>, vector<16xi1>
          %broadcast_in_dim3A_323 = arith.constant 4 : i32
          %broadcast_in_dim3A_324 = vector.broadcast %broadcast_in_dim3A_323 : i32 to vector<16xi32>
          %gather3A_325 = tpu.vector_load_idx %arg16[%broadcast_in_dim3A_324, %min3A_310] : memref<8x4096xf32, #tpu.memory_space<vmem>>[vector<16xi32>, vector<16xi32>], vector<16xf32>,
          tpu.vector_store_idx %arg18[%broadcast_in_dim3A_324, %gather3A_311], %gather3A_325 masked %lt3A_298 : memref<8x4096xf32, #tpu.memory_space<vmem>>[vector<16xi32>, vector<16xi32>], vector<16xf32>, vector<16xi1>
          %broadcast_in_dim3A_326 = arith.constant 5 : i32
          %broadcast_in_dim3A_327 = vector.broadcast %broadcast_in_dim3A_326 : i32 to vector<16xi32>
          %gather3A_328 = tpu.vector_load_idx %arg16[%broadcast_in_dim3A_327, %min3A_310] : memref<8x4096xf32, #tpu.memory_space<vmem>>[vector<16xi32>, vector<16xi32>], vector<16xf32>,
          tpu.vector_store_idx %arg18[%broadcast_in_dim3A_327, %gather3A_311], %gather3A_328 masked %lt3A_298 : memref<8x4096xf32, #tpu.memory_space<vmem>>[vector<16xi32>, vector<16xi32>], vector<16xf32>, vector<16xi1>
          %broadcast_in_dim3A_329 = arith.constant 6 : i32
          %broadcast_in_dim3A_330 = vector.broadcast %broadcast_in_dim3A_329 : i32 to vector<16xi32>
          %gather3A_331 = tpu.vector_load_idx %arg16[%broadcast_in_dim3A_330, %min3A_310] : memref<8x4096xf32, #tpu.memory_space<vmem>>[vector<16xi32>, vector<16xi32>], vector<16xf32>,
          tpu.vector_store_idx %arg18[%broadcast_in_dim3A_330, %gather3A_311], %gather3A_331 masked %lt3A_298 : memref<8x4096xf32, #tpu.memory_space<vmem>>[vector<16xi32>, vector<16xi32>], vector<16xf32>, vector<16xi1>
          %broadcast_in_dim3A_332 = arith.constant 7 : i32
          %broadcast_in_dim3A_333 = vector.broadcast %broadcast_in_dim3A_332 : i32 to vector<16xi32>
          %gather3A_334 = tpu.vector_load_idx %arg16[%broadcast_in_dim3A_333, %min3A_310] : memref<8x4096xf32, #tpu.memory_space<vmem>>[vector<16xi32>, vector<16xi32>], vector<16xf32>,
          tpu.vector_store_idx %arg18[%broadcast_in_dim3A_333, %gather3A_311], %gather3A_334 masked %lt3A_298 : memref<8x4096xf32, #tpu.memory_space<vmem>>[vector<16xi32>, vector<16xi32>], vector<16xf32>, vector<16xi1>
        }
        %while3A_236 = arith.constant 1 : i32
        scf.for %while3A_291 = %while3A_234 to %while3A_230 step %while3A_236  : i32 {
          %mul3A_292 = arith.constant 16 : i32
          %mul3A_293 = arith.muli %while3A_291, %mul3A_292 : i32
          %add3A_294 = arith.addi %squeeze3A, %mul3A_293 : i32
          %add3A_295 = vector.broadcast %add3A_294 : i32 to vector<16xi32>
          %add3A_296 = arith.addi %add3A_295, %iota3A : vector<16xi32>
          %lt3A_297 = vector.broadcast %squeeze3A_200 : i32 to vector<16xi32>
          %lt3A_298 = arith.cmpi slt, %add3A_296, %lt3A_297 : vector<16xi32>
          %min3A_299 = arith.constant 4095 : i32
          %min3A_300 = vector.broadcast %min3A_299 : i32 to vector<16xi32>
          %min3A_301 = arith.minsi %add3A_296, %min3A_300 : vector<16xi32>
          %gather3A_302 = tpu.vector_load_idx %arg12[%min3A_301] : memref<4096xi32, #tpu.memory_space<vmem>>[vector<16xi32>], vector<16xi32>,
          %sub3A_303 = arith.constant 98304 : i32
          %sub3A_304 = vector.broadcast %sub3A_303 : i32 to vector<16xi32>
          %sub3A_305 = arith.subi %gather3A_302, %sub3A_304 : vector<16xi32>
          %jit3A_306 = arith.constant 0 : i32
          %jit3A_307 = arith.constant 1663 : i32
          %max3A = vector.broadcast %jit3A_306 : i32 to vector<16xi32>
          %max3A_308 = arith.maxsi %max3A, %sub3A_305 : vector<16xi32>
          %min3A_309 = vector.broadcast %jit3A_307 : i32 to vector<16xi32>
          %min3A_310 = arith.minsi %min3A_309, %max3A_308 : vector<16xi32>
          %gather3A_311 = tpu.vector_load_idx %arg13[%min3A_301] : memref<4096xi32, #tpu.memory_space<vmem>>[vector<16xi32>], vector<16xi32>,
          %broadcast_in_dim3A = arith.constant 0 : i32
          %broadcast_in_dim3A_312 = vector.broadcast %broadcast_in_dim3A : i32 to vector<16xi32>
          %gather3A_313 = tpu.vector_load_idx %arg16[%broadcast_in_dim3A_312, %min3A_310] : memref<8x4096xf32, #tpu.memory_space<vmem>>[vector<16xi32>, vector<16xi32>], vector<16xf32>,
          tpu.vector_store_idx %arg18[%broadcast_in_dim3A_312, %gather3A_311], %gather3A_313 masked %lt3A_298 : memref<8x4096xf32, #tpu.memory_space<vmem>>[vector<16xi32>, vector<16xi32>], vector<16xf32>, vector<16xi1>
          %broadcast_in_dim3A_314 = arith.constant 1 : i32
          %broadcast_in_dim3A_315 = vector.broadcast %broadcast_in_dim3A_314 : i32 to vector<16xi32>
          %gather3A_316 = tpu.vector_load_idx %arg16[%broadcast_in_dim3A_315, %min3A_310] : memref<8x4096xf32, #tpu.memory_space<vmem>>[vector<16xi32>, vector<16xi32>], vector<16xf32>,
          tpu.vector_store_idx %arg18[%broadcast_in_dim3A_315, %gather3A_311], %gather3A_316 masked %lt3A_298 : memref<8x4096xf32, #tpu.memory_space<vmem>>[vector<16xi32>, vector<16xi32>], vector<16xf32>, vector<16xi1>
          %broadcast_in_dim3A_317 = arith.constant 2 : i32
          %broadcast_in_dim3A_318 = vector.broadcast %broadcast_in_dim3A_317 : i32 to vector<16xi32>
          %gather3A_319 = tpu.vector_load_idx %arg16[%broadcast_in_dim3A_318, %min3A_310] : memref<8x4096xf32, #tpu.memory_space<vmem>>[vector<16xi32>, vector<16xi32>], vector<16xf32>,
          tpu.vector_store_idx %arg18[%broadcast_in_dim3A_318, %gather3A_311], %gather3A_319 masked %lt3A_298 : memref<8x4096xf32, #tpu.memory_space<vmem>>[vector<16xi32>, vector<16xi32>], vector<16xf32>, vector<16xi1>
          %broadcast_in_dim3A_320 = arith.constant 3 : i32
          %broadcast_in_dim3A_321 = vector.broadcast %broadcast_in_dim3A_320 : i32 to vector<16xi32>
          %gather3A_322 = tpu.vector_load_idx %arg16[%broadcast_in_dim3A_321, %min3A_310] : memref<8x4096xf32, #tpu.memory_space<vmem>>[vector<16xi32>, vector<16xi32>], vector<16xf32>,
          tpu.vector_store_idx %arg18[%broadcast_in_dim3A_321, %gather3A_311], %gather3A_322 masked %lt3A_298 : memref<8x4096xf32, #tpu.memory_space<vmem>>[vector<16xi32>, vector<16xi32>], vector<16xf32>, vector<16xi1>
          %broadcast_in_dim3A_323 = arith.constant 4 : i32
          %broadcast_in_dim3A_324 = vector.broadcast %broadcast_in_dim3A_323 : i32 to vector<16xi32>
          %gather3A_325 = tpu.vector_load_idx %arg16[%broadcast_in_dim3A_324, %min3A_310] : memref<8x4096xf32, #tpu.memory_space<vmem>>[vector<16xi32>, vector<16xi32>], vector<16xf32>,
          tpu.vector_store_idx %arg18[%broadcast_in_dim3A_324, %gather3A_311], %gather3A_325 masked %lt3A_298 : memref<8x4096xf32, #tpu.memory_space<vmem>>[vector<16xi32>, vector<16xi32>], vector<16xf32>, vector<16xi1>
          %broadcast_in_dim3A_326 = arith.constant 5 : i32
          %broadcast_in_dim3A_327 = vector.broadcast %broadcast_in_dim3A_326 : i32 to vector<16xi32>
          %gather3A_328 = tpu.vector_load_idx %arg16[%broadcast_in_dim3A_327, %min3A_310] : memref<8x4096xf32, #tpu.memory_space<vmem>>[vector<16xi32>, vector<16xi32>], vector<16xf32>,
          tpu.vector_store_idx %arg18[%broadcast_in_dim3A_327, %gather3A_311], %gather3A_328 masked %lt3A_298 : memref<8x4096xf32, #tpu.memory_space<vmem>>[vector<16xi32>, vector<16xi32>], vector<16xf32>, vector<16xi1>
          %broadcast_in_dim3A_329 = arith.constant 6 : i32
          %broadcast_in_dim3A_330 = vector.broadcast %broadcast_in_dim3A_329 : i32 to vector<16xi32>
          %gather3A_331 = tpu.vector_load_idx %arg16[%broadcast_in_dim3A_330, %min3A_310] : memref<8x4096xf32, #tpu.memory_space<vmem>>[vector<16xi32>, vector<16xi32>], vector<16xf32>,
          tpu.vector_store_idx %arg18[%broadcast_in_dim3A_330, %gather3A_311], %gather3A_331 masked %lt3A_298 : memref<8x4096xf32, #tpu.memory_space<vmem>>[vector<16xi32>, vector<16xi32>], vector<16xf32>, vector<16xi1>
          %broadcast_in_dim3A_332 = arith.constant 7 : i32
          %broadcast_in_dim3A_333 = vector.broadcast %broadcast_in_dim3A_332 : i32 to vector<16xi32>
          %gather3A_334 = tpu.vector_load_idx %arg16[%broadcast_in_dim3A_333, %min3A_310] : memref<8x4096xf32, #tpu.memory_space<vmem>>[vector<16xi32>, vector<16xi32>], vector<16xf32>,
          tpu.vector_store_idx %arg18[%broadcast_in_dim3A_333, %gather3A_311], %gather3A_334 masked %lt3A_298 : memref<8x4096xf32, #tpu.memory_space<vmem>>[vector<16xi32>, vector<16xi32>], vector<16xf32>, vector<16xi1>
        }
        %add3A_237 = arith.constant 25 : i32
        %add3A_238 = vector.broadcast %add3A_237 : i32 to vector<16xi32>
        %add3A_239 = arith.addi %add3A_238, %iota3A : vector<16xi32>
        %min3A_240 = arith.constant 63 : i32
        %min3A_241 = vector.broadcast %min3A_240 : i32 to vector<16xi32>
        %min3A_242 = arith.minsi %add3A_239, %min3A_241 : vector<16xi32>
        %gather3A_243 = tpu.vector_load_idx %arg14[%min3A_242] : memref<64xi32, #tpu.memory_space<vmem>>[vector<16xi32>], vector<16xi32>,
        %slice3A_244 = vector.extract_strided_slice %gather3A_243 {offsets = [0], sizes = [1], strides = [1]} : vector<16xi32> to vector<1xi32>
        %squeeze3A_245 = vector.extract %slice3A_244[0] : i32 from vector<1xi32>
        %slice3A_246 = vector.extract_strided_slice %gather3A_243 {offsets = [1], sizes = [1], strides = [1]} : vector<16xi32> to vector<1xi32>
        %squeeze3A_247 = vector.extract %slice3A_246[0] : i32 from vector<1xi32>
        %sub3A_248 = arith.subi %squeeze3A_247, %squeeze3A_245 : i32
        %add3A_249 = arith.constant 15 : i32
        %add3A_250 = arith.addi %sub3A_248, %add3A_249 : i32
        %jit3A_251 = arith.constant 16 : i32
        %div3A_252 = arith.divsi %add3A_250, %jit3A_251 : i32
        %sign3A_253 = arith.constant 0 : i32
        %sign3A_254 = arith.cmpi sgt, %add3A_250, %sign3A_253 : i32
        %sign3A_255 = arith.extui %sign3A_254 : i1 to i32
        %sign3A_256 = arith.constant 0 : i32
        %sign3A_257 = arith.cmpi slt, %add3A_250, %sign3A_256 : i32
        %sign3A_258 = arith.extui %sign3A_257 : i1 to i32
        %sign3A_259 = arith.subi %sign3A_255, %sign3A_258 : i32
        %sign3A_260 = arith.constant 0 : i32
        %sign3A_261 = arith.cmpi sgt, %jit3A_251, %sign3A_260 : i32
        %sign3A_262 = arith.extui %sign3A_261 : i1 to i32
        %sign3A_263 = arith.constant 0 : i32
        %sign3A_264 = arith.cmpi slt, %jit3A_251, %sign3A_263 : i32
        %sign3A_265 = arith.extui %sign3A_264 : i1 to i32
        %sign3A_266 = arith.subi %sign3A_262, %sign3A_265 : i32
        %ne3A_267 = arith.cmpi ne, %sign3A_259, %sign3A_266 : i32
        %rem3A_268 = arith.remsi %add3A_250, %jit3A_251 : i32
        %ne3A_269 = arith.constant 0 : i32
        %ne3A_270 = arith.cmpi ne, %rem3A_268, %ne3A_269 : i32
        %and3A_271 = arith.andi %ne3A_267, %ne3A_270 : i1
        %sub3A_272 = arith.constant 1 : i32
        %sub3A_273 = arith.subi %div3A_252, %sub3A_272 : i32
        %select_n3A_274 = arith.select %and3A_271, %sub3A_273, %div3A_252 : i32
        %while3A_275 = arith.constant 0 : i32
        %while3A_276 = arith.constant 0 : i32
        %while3A_277 = arith.subi %select_n3A_274, %while3A_276 : i32
        %while3A_278 = arith.addi %while3A_276, %while3A_277 : i32
        %while3A_279 = arith.constant 1 : i32
        %while3A_280 = arith.divsi %while3A_277, %while3A_279 : i32
        %while3A_281 = arith.muli %while3A_280, %while3A_279 : i32
        %while3A_282 = arith.addi %while3A_276, %while3A_281 : i32
        %while3A_283 = arith.constant 1 : i32
        scf.for %while3A_291 = %while3A_276 to %while3A_282 step %while3A_283  : i32 {
          %mul3A_292 = arith.constant 16 : i32
          %mul3A_293 = arith.muli %while3A_291, %mul3A_292 : i32
          %add3A_294 = arith.addi %squeeze3A_245, %mul3A_293 : i32
          %add3A_295 = vector.broadcast %add3A_294 : i32 to vector<16xi32>
          %add3A_296 = arith.addi %add3A_295, %iota3A : vector<16xi32>
          %lt3A_297 = vector.broadcast %squeeze3A_247 : i32 to vector<16xi32>
          %lt3A_298 = arith.cmpi slt, %add3A_296, %lt3A_297 : vector<16xi32>
          %min3A_299 = arith.constant 4095 : i32
          %min3A_300 = vector.broadcast %min3A_299 : i32 to vector<16xi32>
          %min3A_301 = arith.minsi %add3A_296, %min3A_300 : vector<16xi32>
          %gather3A_302 = tpu.vector_load_idx %arg12[%min3A_301] : memref<4096xi32, #tpu.memory_space<vmem>>[vector<16xi32>], vector<16xi32>,
          %sub3A_303 = arith.constant 99968 : i32
          %sub3A_304 = vector.broadcast %sub3A_303 : i32 to vector<16xi32>
          %sub3A_305 = arith.subi %gather3A_302, %sub3A_304 : vector<16xi32>
          %jit3A_306 = arith.constant 0 : i32
          %jit3A_307 = arith.constant 31 : i32
          %max3A = vector.broadcast %jit3A_306 : i32 to vector<16xi32>
          %max3A_308 = arith.maxsi %max3A, %sub3A_305 : vector<16xi32>
          %min3A_309 = vector.broadcast %jit3A_307 : i32 to vector<16xi32>
          %min3A_310 = arith.minsi %min3A_309, %max3A_308 : vector<16xi32>
          %gather3A_311 = tpu.vector_load_idx %arg13[%min3A_301] : memref<4096xi32, #tpu.memory_space<vmem>>[vector<16xi32>], vector<16xi32>,
          %broadcast_in_dim3A = arith.constant 0 : i32
          %broadcast_in_dim3A_312 = vector.broadcast %broadcast_in_dim3A : i32 to vector<16xi32>
          %gather3A_313 = tpu.vector_load_idx %arg15[%broadcast_in_dim3A_312, %min3A_310] : memref<8x32xf32, #tpu.memory_space<vmem>>[vector<16xi32>, vector<16xi32>], vector<16xf32>,
          tpu.vector_store_idx %arg18[%broadcast_in_dim3A_312, %gather3A_311], %gather3A_313 masked %lt3A_298 : memref<8x4096xf32, #tpu.memory_space<vmem>>[vector<16xi32>, vector<16xi32>], vector<16xf32>, vector<16xi1>
          %broadcast_in_dim3A_314 = arith.constant 1 : i32
          %broadcast_in_dim3A_315 = vector.broadcast %broadcast_in_dim3A_314 : i32 to vector<16xi32>
          %gather3A_316 = tpu.vector_load_idx %arg15[%broadcast_in_dim3A_315, %min3A_310] : memref<8x32xf32, #tpu.memory_space<vmem>>[vector<16xi32>, vector<16xi32>], vector<16xf32>,
          tpu.vector_store_idx %arg18[%broadcast_in_dim3A_315, %gather3A_311], %gather3A_316 masked %lt3A_298 : memref<8x4096xf32, #tpu.memory_space<vmem>>[vector<16xi32>, vector<16xi32>], vector<16xf32>, vector<16xi1>
          %broadcast_in_dim3A_317 = arith.constant 2 : i32
          %broadcast_in_dim3A_318 = vector.broadcast %broadcast_in_dim3A_317 : i32 to vector<16xi32>
          %gather3A_319 = tpu.vector_load_idx %arg15[%broadcast_in_dim3A_318, %min3A_310] : memref<8x32xf32, #tpu.memory_space<vmem>>[vector<16xi32>, vector<16xi32>], vector<16xf32>,
          tpu.vector_store_idx %arg18[%broadcast_in_dim3A_318, %gather3A_311], %gather3A_319 masked %lt3A_298 : memref<8x4096xf32, #tpu.memory_space<vmem>>[vector<16xi32>, vector<16xi32>], vector<16xf32>, vector<16xi1>
          %broadcast_in_dim3A_320 = arith.constant 3 : i32
          %broadcast_in_dim3A_321 = vector.broadcast %broadcast_in_dim3A_320 : i32 to vector<16xi32>
          %gather3A_322 = tpu.vector_load_idx %arg15[%broadcast_in_dim3A_321, %min3A_310] : memref<8x32xf32, #tpu.memory_space<vmem>>[vector<16xi32>, vector<16xi32>], vector<16xf32>,
          tpu.vector_store_idx %arg18[%broadcast_in_dim3A_321, %gather3A_311], %gather3A_322 masked %lt3A_298 : memref<8x4096xf32, #tpu.memory_space<vmem>>[vector<16xi32>, vector<16xi32>], vector<16xf32>, vector<16xi1>
          %broadcast_in_dim3A_323 = arith.constant 4 : i32
          %broadcast_in_dim3A_324 = vector.broadcast %broadcast_in_dim3A_323 : i32 to vector<16xi32>
          %gather3A_325 = tpu.vector_load_idx %arg15[%broadcast_in_dim3A_324, %min3A_310] : memref<8x32xf32, #tpu.memory_space<vmem>>[vector<16xi32>, vector<16xi32>], vector<16xf32>,
          tpu.vector_store_idx %arg18[%broadcast_in_dim3A_324, %gather3A_311], %gather3A_325 masked %lt3A_298 : memref<8x4096xf32, #tpu.memory_space<vmem>>[vector<16xi32>, vector<16xi32>], vector<16xf32>, vector<16xi1>
          %broadcast_in_dim3A_326 = arith.constant 5 : i32
          %broadcast_in_dim3A_327 = vector.broadcast %broadcast_in_dim3A_326 : i32 to vector<16xi32>
          %gather3A_328 = tpu.vector_load_idx %arg15[%broadcast_in_dim3A_327, %min3A_310] : memref<8x32xf32, #tpu.memory_space<vmem>>[vector<16xi32>, vector<16xi32>], vector<16xf32>,
          tpu.vector_store_idx %arg18[%broadcast_in_dim3A_327, %gather3A_311], %gather3A_328 masked %lt3A_298 : memref<8x4096xf32, #tpu.memory_space<vmem>>[vector<16xi32>, vector<16xi32>], vector<16xf32>, vector<16xi1>
          %broadcast_in_dim3A_329 = arith.constant 6 : i32
          %broadcast_in_dim3A_330 = vector.broadcast %broadcast_in_dim3A_329 : i32 to vector<16xi32>
          %gather3A_331 = tpu.vector_load_idx %arg15[%broadcast_in_dim3A_330, %min3A_310] : memref<8x32xf32, #tpu.memory_space<vmem>>[vector<16xi32>, vector<16xi32>], vector<16xf32>,
          tpu.vector_store_idx %arg18[%broadcast_in_dim3A_330, %gather3A_311], %gather3A_331 masked %lt3A_298 : memref<8x4096xf32, #tpu.memory_space<vmem>>[vector<16xi32>, vector<16xi32>], vector<16xf32>, vector<16xi1>
          %broadcast_in_dim3A_332 = arith.constant 7 : i32
          %broadcast_in_dim3A_333 = vector.broadcast %broadcast_in_dim3A_332 : i32 to vector<16xi32>
          %gather3A_334 = tpu.vector_load_idx %arg15[%broadcast_in_dim3A_333, %min3A_310] : memref<8x32xf32, #tpu.memory_space<vmem>>[vector<16xi32>, vector<16xi32>], vector<16xf32>,
          tpu.vector_store_idx %arg18[%broadcast_in_dim3A_333, %gather3A_311], %gather3A_334 masked %lt3A_298 : memref<8x4096xf32, #tpu.memory_space<vmem>>[vector<16xi32>, vector<16xi32>], vector<16xf32>, vector<16xi1>
        }
        %while3A_284 = arith.constant 1 : i32
        scf.for %while3A_291 = %while3A_282 to %while3A_278 step %while3A_284  : i32 {
          %mul3A_292 = arith.constant 16 : i32
          %mul3A_293 = arith.muli %while3A_291, %mul3A_292 : i32
          %add3A_294 = arith.addi %squeeze3A_245, %mul3A_293 : i32
          %add3A_295 = vector.broadcast %add3A_294 : i32 to vector<16xi32>
          %add3A_296 = arith.addi %add3A_295, %iota3A : vector<16xi32>
          %lt3A_297 = vector.broadcast %squeeze3A_247 : i32 to vector<16xi32>
          %lt3A_298 = arith.cmpi slt, %add3A_296, %lt3A_297 : vector<16xi32>
          %min3A_299 = arith.constant 4095 : i32
          %min3A_300 = vector.broadcast %min3A_299 : i32 to vector<16xi32>
          %min3A_301 = arith.minsi %add3A_296, %min3A_300 : vector<16xi32>
          %gather3A_302 = tpu.vector_load_idx %arg12[%min3A_301] : memref<4096xi32, #tpu.memory_space<vmem>>[vector<16xi32>], vector<16xi32>,
          %sub3A_303 = arith.constant 99968 : i32
          %sub3A_304 = vector.broadcast %sub3A_303 : i32 to vector<16xi32>
          %sub3A_305 = arith.subi %gather3A_302, %sub3A_304 : vector<16xi32>
          %jit3A_306 = arith.constant 0 : i32
          %jit3A_307 = arith.constant 31 : i32
          %max3A = vector.broadcast %jit3A_306 : i32 to vector<16xi32>
          %max3A_308 = arith.maxsi %max3A, %sub3A_305 : vector<16xi32>
          %min3A_309 = vector.broadcast %jit3A_307 : i32 to vector<16xi32>
          %min3A_310 = arith.minsi %min3A_309, %max3A_308 : vector<16xi32>
          %gather3A_311 = tpu.vector_load_idx %arg13[%min3A_301] : memref<4096xi32, #tpu.memory_space<vmem>>[vector<16xi32>], vector<16xi32>,
          %broadcast_in_dim3A = arith.constant 0 : i32
          %broadcast_in_dim3A_312 = vector.broadcast %broadcast_in_dim3A : i32 to vector<16xi32>
          %gather3A_313 = tpu.vector_load_idx %arg15[%broadcast_in_dim3A_312, %min3A_310] : memref<8x32xf32, #tpu.memory_space<vmem>>[vector<16xi32>, vector<16xi32>], vector<16xf32>,
          tpu.vector_store_idx %arg18[%broadcast_in_dim3A_312, %gather3A_311], %gather3A_313 masked %lt3A_298 : memref<8x4096xf32, #tpu.memory_space<vmem>>[vector<16xi32>, vector<16xi32>], vector<16xf32>, vector<16xi1>
          %broadcast_in_dim3A_314 = arith.constant 1 : i32
          %broadcast_in_dim3A_315 = vector.broadcast %broadcast_in_dim3A_314 : i32 to vector<16xi32>
          %gather3A_316 = tpu.vector_load_idx %arg15[%broadcast_in_dim3A_315, %min3A_310] : memref<8x32xf32, #tpu.memory_space<vmem>>[vector<16xi32>, vector<16xi32>], vector<16xf32>,
          tpu.vector_store_idx %arg18[%broadcast_in_dim3A_315, %gather3A_311], %gather3A_316 masked %lt3A_298 : memref<8x4096xf32, #tpu.memory_space<vmem>>[vector<16xi32>, vector<16xi32>], vector<16xf32>, vector<16xi1>
          %broadcast_in_dim3A_317 = arith.constant 2 : i32
          %broadcast_in_dim3A_318 = vector.broadcast %broadcast_in_dim3A_317 : i32 to vector<16xi32>
          %gather3A_319 = tpu.vector_load_idx %arg15[%broadcast_in_dim3A_318, %min3A_310] : memref<8x32xf32, #tpu.memory_space<vmem>>[vector<16xi32>, vector<16xi32>], vector<16xf32>,
          tpu.vector_store_idx %arg18[%broadcast_in_dim3A_318, %gather3A_311], %gather3A_319 masked %lt3A_298 : memref<8x4096xf32, #tpu.memory_space<vmem>>[vector<16xi32>, vector<16xi32>], vector<16xf32>, vector<16xi1>
          %broadcast_in_dim3A_320 = arith.constant 3 : i32
          %broadcast_in_dim3A_321 = vector.broadcast %broadcast_in_dim3A_320 : i32 to vector<16xi32>
          %gather3A_322 = tpu.vector_load_idx %arg15[%broadcast_in_dim3A_321, %min3A_310] : memref<8x32xf32, #tpu.memory_space<vmem>>[vector<16xi32>, vector<16xi32>], vector<16xf32>,
          tpu.vector_store_idx %arg18[%broadcast_in_dim3A_321, %gather3A_311], %gather3A_322 masked %lt3A_298 : memref<8x4096xf32, #tpu.memory_space<vmem>>[vector<16xi32>, vector<16xi32>], vector<16xf32>, vector<16xi1>
          %broadcast_in_dim3A_323 = arith.constant 4 : i32
          %broadcast_in_dim3A_324 = vector.broadcast %broadcast_in_dim3A_323 : i32 to vector<16xi32>
          %gather3A_325 = tpu.vector_load_idx %arg15[%broadcast_in_dim3A_324, %min3A_310] : memref<8x32xf32, #tpu.memory_space<vmem>>[vector<16xi32>, vector<16xi32>], vector<16xf32>,
          tpu.vector_store_idx %arg18[%broadcast_in_dim3A_324, %gather3A_311], %gather3A_325 masked %lt3A_298 : memref<8x4096xf32, #tpu.memory_space<vmem>>[vector<16xi32>, vector<16xi32>], vector<16xf32>, vector<16xi1>
          %broadcast_in_dim3A_326 = arith.constant 5 : i32
          %broadcast_in_dim3A_327 = vector.broadcast %broadcast_in_dim3A_326 : i32 to vector<16xi32>
          %gather3A_328 = tpu.vector_load_idx %arg15[%broadcast_in_dim3A_327, %min3A_310] : memref<8x32xf32, #tpu.memory_space<vmem>>[vector<16xi32>, vector<16xi32>], vector<16xf32>,
          tpu.vector_store_idx %arg18[%broadcast_in_dim3A_327, %gather3A_311], %gather3A_328 masked %lt3A_298 : memref<8x4096xf32, #tpu.memory_space<vmem>>[vector<16xi32>, vector<16xi32>], vector<16xf32>, vector<16xi1>
          %broadcast_in_dim3A_329 = arith.constant 6 : i32
          %broadcast_in_dim3A_330 = vector.broadcast %broadcast_in_dim3A_329 : i32 to vector<16xi32>
          %gather3A_331 = tpu.vector_load_idx %arg15[%broadcast_in_dim3A_330, %min3A_310] : memref<8x32xf32, #tpu.memory_space<vmem>>[vector<16xi32>, vector<16xi32>], vector<16xf32>,
          tpu.vector_store_idx %arg18[%broadcast_in_dim3A_330, %gather3A_311], %gather3A_331 masked %lt3A_298 : memref<8x4096xf32, #tpu.memory_space<vmem>>[vector<16xi32>, vector<16xi32>], vector<16xf32>, vector<16xi1>
          %broadcast_in_dim3A_332 = arith.constant 7 : i32
          %broadcast_in_dim3A_333 = vector.broadcast %broadcast_in_dim3A_332 : i32 to vector<16xi32>
          %gather3A_334 = tpu.vector_load_idx %arg15[%broadcast_in_dim3A_333, %min3A_310] : memref<8x32xf32, #tpu.memory_space<vmem>>[vector<16xi32>, vector<16xi32>], vector<16xf32>,
          tpu.vector_store_idx %arg18[%broadcast_in_dim3A_333, %gather3A_311], %gather3A_334 masked %lt3A_298 : memref<8x4096xf32, #tpu.memory_space<vmem>>[vector<16xi32>, vector<16xi32>], vector<16xf32>, vector<16xi1>
        }
        %mul3A_285 = arith.constant 32 : i32
        %mul3A_286 = arith.muli %select_n3A, %mul3A_285 : i32
        %mul3A_287 = arith.constant 8 : i32
        %mul3A_288 = arith.muli %sub3A_147, %mul3A_287 : i32
        %add3A_289 = arith.addi %mul3A_286, %mul3A_288 : i32
        %multiple_of3A_290 = tpu.assume_multiple %add3A_289, 8 : i32
        "tpu.region"() ({
          %run_scoped3A = tpu.sem_alloc : memref<!tpu.dma_semaphore, #tpu.memory_space<semaphore_mem>>
          %dma_start3A_291 = arith.constant 0 : i32
          %dma_start3A_292 = tpu.memref_slice %arg10[%multiple_of3A_290, %dma_start3A_291] : memref<832x4096xf32, #tpu.memory_space<hbm>> -> memref<8x4096xf32, #tpu.memory_space<hbm>>
          %dma_start3A_293 = arith.constant 0 : i32
          %dma_start3A_294 = tpu.memref_slice %arg10[%multiple_of3A_290, %dma_start3A_293] : memref<832x4096xf32, #tpu.memory_space<hbm>> -> memref<8x4096xf32, #tpu.memory_space<hbm>>
          tpu.enqueue_dma source(%arg18 : memref<8x4096xf32, #tpu.memory_space<vmem>>) target(%dma_start3A_294 : memref<8x4096xf32, #tpu.memory_space<hbm>>) target_semaphore(%run_scoped3A : memref<!tpu.dma_semaphore, #tpu.memory_space<semaphore_mem>>)
          %dma_wait3A_295 = arith.constant 0 : i32
          %dma_wait3A_296 = tpu.memref_slice %arg10[%multiple_of3A_290, %dma_wait3A_295] : memref<832x4096xf32, #tpu.memory_space<hbm>> -> memref<8x4096xf32, #tpu.memory_space<hbm>>
          %dma_wait3A_297 = arith.constant 0 : i32
          %dma_wait3A_298 = tpu.memref_slice %arg10[%multiple_of3A_290, %dma_wait3A_297] : memref<832x4096xf32, #tpu.memory_space<hbm>> -> memref<8x4096xf32, #tpu.memory_space<hbm>>
          tpu.wait_dma2 semaphore(%run_scoped3A : memref<!tpu.dma_semaphore, #tpu.memory_space<semaphore_mem>>) src(%arg18 : memref<8x4096xf32, #tpu.memory_space<vmem>>) dst(%dma_wait3A_298 : memref<8x4096xf32, #tpu.memory_space<hbm>>)
          tpu.yield
        }) : () -> ()
      } else {
      }
    }
    %scan3A_122 = arith.constant 4 : i32
    return
  }
}

</mosaic_0001>

<sc_bundles>
// kernel: kernel.3.cloned.1.call-start
scs
__scs_entry_jumppad:
0x0: {  	(pc) =	sbr.rel $0x88, $3  }
0x1: {  	(tag) =	ssettag $0x0;
	lr =	simm.s32 $0x1  }
0x2: {  	[smem:$0x3F9C] =	sst lr;
	_ =	strace $0xD0000000  }
0x3: {  	_ = 	snop  }
0x4: {  	_ = 	snop  }
0x5: {  	_ = 	snop  }
0x6: {  	_ = 	snop  }
0x7: {  	_ = 	snop  }
__scs_overlays_trampoline_lowered:
0x8: {  	[smem:$0x3FAB] =	sst s0  }
0x9: {  	[smem:$0x3FAC] =	sst s1  }
0xa: {  	[smem:$0x3FAD] =	sst s2  }
0xb: {  	[smem:$0x3FAE] =	sst s3  }
0xc: {  	[smem:$0x3FAF] =	sst s4  }
0xd: {  	[smem:$0x3FB0] =	sst s5  }
0xe: {  	[smem:$0x3FB1] =	sst s6  }
0xf: {  	[smem:$0x3FB2] =	sst s7  }
0x10: {  	[smem:$0x3FB3] =	sst s8  }
0x11: {  	[smem:$0x3FB4] =	sst s9;
	s0 =	simm.s32 @!p0 $0x0  }
0x12: {  	s1 =	sld [smem:$0x3F9A];
	s0 =	simm.s32 @p0 $0x1  }
0x13: {  	[smem:$0x3FB5] =	sst s0;
	s0 =	simm.s32 @!p1 $0x0  }
0x14: {  	s2 =	sld [smem:$0x3F99];
	s0 =	simm.s32 @p1 $0x1  }
0x15: {  	[smem:$0x3FB6] =	sst s0;
	s0 =	simm.s32 @!p2 $0x0  }
0x16: {  	s3 =	sld [smem:$0x3FDB];
	s0 =	simm.s32 @p2 $0x1  }
0x17: {  	s4 =	simm.s32 $0x1BF5;
	[smem:$0x3FB8] =	sst s0  }
0x18: {  	s0 =	sld [smem:$0x3F9B];
	_ =	swait.ge [sflag:s4], $0x0  }
0x19: {  	s7 =	sld [smem:$0x3F9C]  }
0x1a: {  	s8 =	sadd.s32 $0xFFFFE003, lr  }
0x1b: {  	s9 =	sadd.s32 $0xFFFFFEF7, lr;
	s5 =	simm.s32 $0xFFFFFFFF;
	p2 =	slt.u32 s8, $0xFFFFF086  }
0x1c: {  	p1 =	slt.u32 s9, $0xF7A;
	s5 =	simm.s32 @!p2 $0x0  }
0x1d: {  	s5 =	simm.s32 @p1 $0x1;
	p0 =	seq.s32 s7, s2  }
0x1e: {  	s7 =	smul.u32 @!p0 $0xF7A, s2;
	p2 =	seq.s32 @!p0 s5, $0x0  }
0x1f: {  	s9 =	smul.u32 $0xF7A, s1;
	s8 =	simm.s32 @!p0 $0x1BF5;
	p2 =	por !p2, p0  }
0x20: {  	[sflag:s8] =	ssyncset.s32 @!p0 $0xFFFFF086;
	s6 =	sadd.s32 @!p0 s3, s7;
	s7 =	simm.s32 @!p0 $0x108  }
0x21: {  	s3 =	sadd.s32 s3, s9;
	s6 =	sadd.s32 @!p0 $0x88, s6;
	s7 =	simm.s32 @p2 $0x1082  }
0x22: {  	[simem:s7], [sflag:s8] =	dma.local @!p0 [hbm:s6], $0xF7A  }
0x23: {  	s9 =	sor.u32 $0xD0000000, s2;
	s6 =	simm.s32 $0x108;
	_ =	swait.ge @!p0 [sflag:s8], $0x0  }
0x24: {  	s3 =	sadd.s32 $0x88, s3;
	s6 =	simm.s32 @!p1 $0x1082;
	[sflag:s4] =	ssyncset.s32 $0xFFFFF086  }
0x25: {  	[simem:s6], [sflag:s4] =	dma.local [hbm:s3], $0xF7A  }
0x26: {  	[smem:$0x3F9C] =	sst s1;
	(tag) =	ssettag s2;
	_ =	strace s9  }
0x27: {  	s1 =	sld [smem:$0x3FAC]  }
0x28: {  	s2 =	sld [smem:$0x3FAD]  }
0x29: {  	s4 =	sld [smem:$0x3FAF]  }
0x2a: {  	p0 =	seq.s32 s5, $0x0;
	s5 =	sld [smem:$0x3FB0]  }
0x2b: {  	s6 =	sld [smem:$0x3FB1]  }
0x2c: {  	s7 =	sld [smem:$0x3FB2]  }
0x2d: {  	s3 =	simm.s32 $0x108;
	s8 =	sld [smem:$0x3FB3]  }
0x2e: {  	s3 =	simm.s32 @!p0 $0x1082;
	s9 =	sld [smem:$0x3FB4]  }
0x2f: {  	lr =	sadd.s32 s0, s3;
	s0 =	sld [smem:$0x3FAB]  }
0x30: {  	s3 =	sld [smem:$0x3FAE]  }
0x31: {  	[smem:$0x3FB7] =	sst s10  }
0x32: {  	s10 =	sld [smem:$0x3FB5];
	_ =	sdelay $0x3  }
0x33: {  	p0 =	seq.s32 s10, $0x1;
	s10 =	sld [smem:$0x3FB7];
	_ =	sdelay $0x3  }
0x34: {  	[smem:$0x3FB7] =	sst s10  }
0x35: {  	s10 =	sld [smem:$0x3FB6];
	_ =	sdelay $0x3  }
0x36: {  	p1 =	seq.s32 s10, $0x1;
	s10 =	sld [smem:$0x3FB7];
	_ =	sdelay $0x3  }
0x37: {  	[smem:$0x3FB7] =	sst s10  }
0x38: {  	s10 =	sld [smem:$0x3FB8]  }
0x39: {  	_ = 	snop;
	(pc) =	sbr.ind lr, $3  }
0x3a: {  	_ = 	snop  }
0x3b: {  	_ = 	snop  }
0x3c: {  	p2 =	seq.s32 s10, $0x1;
	s10 =	sld [smem:$0x3FB7]  }
0x3d: {  	_ =	shalt  }
0x3e: {  	_ =	shalt  }
0x3f: {  	_ =	shalt  }
0x40: {  	_ =	shalt  }
0x41: {  	_ =	shalt  }
0x42: {  	_ =	shalt  }
0x43: {  	_ =	shalt  }
0x44: {  	_ =	shalt  }
0x45: {  	_ =	shalt  }
0x46: {  	_ =	shalt  }
0x47: {  	_ =	shalt  }
0x48: {  	_ =	shalt  }
0x49: {  	_ =	shalt  }
0x4a: {  	_ =	shalt  }
0x4b: {  	_ =	shalt  }
0x4c: {  	_ =	shalt  }
0x4d: {  	_ =	shalt  }
0x4e: {  	_ =	shalt  }
0x4f: {  	_ =	shalt  }
0x50: {  	_ =	shalt  }
0x51: {  	_ =	shalt  }
0x52: {  	_ =	shalt  }
0x53: {  	_ =	shalt  }
0x54: {  	_ =	shalt  }
0x55: {  	_ =	shalt  }
0x56: {  	_ =	shalt  }
0x57: {  	_ =	shalt  }
0x58: {  	_ =	shalt  }
0x59: {  	_ =	shalt  }
0x5a: {  	_ =	shalt  }
0x5b: {  	_ =	shalt  }
0x5c: {  	_ =	shalt  }
0x5d: {  	_ =	shalt  }
0x5e: {  	_ =	shalt  }
0x5f: {  	_ =	shalt  }
0x60: {  	_ =	shalt  }
0x61: {  	_ =	shalt  }
0x62: {  	_ =	shalt  }
0x63: {  	_ =	shalt  }
0x64: {  	_ =	shalt  }
0x65: {  	_ =	shalt  }
0x66: {  	_ =	shalt  }
0x67: {  	_ =	shalt  }
0x68: {  	_ =	shalt  }
0x69: {  	_ =	shalt  }
0x6a: {  	_ =	shalt  }
0x6b: {  	_ =	shalt  }
0x6c: {  	_ =	shalt  }
0x6d: {  	_ =	shalt  }
0x6e: {  	_ =	shalt  }
0x6f: {  	_ =	shalt  }
0x70: {  	_ =	shalt  }
0x71: {  	_ =	shalt  }
0x72: {  	_ =	shalt  }
0x73: {  	_ =	shalt  }
0x74: {  	_ =	shalt  }
0x75: {  	_ =	shalt  }
0x76: {  	_ =	shalt  }
0x77: {  	_ =	shalt  }
0x78: {  	_ =	shalt  }
0x79: {  	_ =	shalt  }
0x7a: {  	_ =	shalt  }
0x7b: {  	_ =	shalt  }
0x7c: {  	_ =	shalt  }
0x7d: {  	_ =	shalt  }
0x7e: {  	_ =	shalt  }
0x7f: {  	_ =	shalt  }
0x80: {  	_ =	shalt  }
0x81: {  	_ =	shalt  }
0x82: {  	_ =	shalt  }
0x83: {  	_ =	shalt  }
0x84: {  	_ =	shalt  }
0x85: {  	_ =	shalt  }
0x86: {  	_ =	shalt  }
0x87: {  	_ =	shalt  }
.Lfunc_end0:
.L_simem_size_0:
called_computation_lowered:
.L_overlay_start_0:
0x88: {  	s2 =	sld [smem:$0x3FD9]  }
0x89: {  	s3 =	sld [smem:$0x3FFE];
	_ =	sdelay $0x1  }
0x8a: {  	s1 =	srdreg.scid  }
0x8b: {  	s0 =	sand.u32 $0x1, s1  }
0x8c: {  	s17 =	sshll.u32 s0, $0xA;
	s2 =	sadd.s32 s3, s2  }
0x8d: {  	s2 =	sadd.s32 s2, s17  }
0x8e: {  	[smem:$0x3FC3] =	sst s2  }
0x8f: {  	_ = 	snop  }
0x90: {  	s2 =	sld [smem:$0x3FC7]  }
0x91: {  	s18 =	sld [smem:$0x3FC6]  }
0x92: {  	s4 =	sld [smem:$0x3FC5]  }
0x93: {  	s5 =	sld [smem:$0x3FD0];
	(tm) =	ssettm $0x1  }
0x94: {  	s6 =	sld [smem:$0x3FFB];
	_ =	sdelay $0x3  }
0x95: {  	_ =	strace s6  }
0x96: {  	s6 =	sld [smem:$0x3FFC];
	_ =	sdelay $0x3  }
0x97: {  	_ =	strace s6  }
0x98: {  	s6 =	sld [smem:$0x3FFD];
	_ =	sdelay $0x3  }
0x99: {  	_ =	strace s6  }
0x9a: {  	_ =	strace $0x8FFFFFFF  }
0x9b: {  	s19 =	sld [smem:$0x3FDB];
	_ =	sdelay $0x1  }
0x9c: {  	s7 =	simm.s32 $_scs_section_size  }
0x9d: {  	s8 =	simm.s32 $_size__tile_overlayer_lowered;
	s9 =	simm.s32 $_tile_overlayer_lowered  }
0x9e: {  	s22 =	simm.s32 $0x1BFF;
	s21 =	sshll.u32 s9, $0x1;
	s6 =	sadd.s32 s7, s19  }
0x9f: {  	s10 =	simm.s32 $0x0;
	s20 =	sshll.u32 s8, $0x1;
	s8 =	sadd.s32 s21, s6  }
0xa0: {  	[timem:s10], [sflag:s22] =	dma.local [hbm:s8], s20  }
0xa1: {  	_ =	swait.ge [sflag:s22], s20  }
0xa2: {  	s7 =	ssub.s32 $0x0, s20;
	[sflag:s22] =	ssyncset.done $0x0  }
0xa3: {  	[sflag:s22] =	ssyncadd.s32 s7;
	_ =	sdelay $0x1  }
0xa4: {  	s23 =	simm.s32 $0x1B8B  }
0xa5: {  	_ =	swait.ge [sflag:s23], $0x1  }
0xa6: {  	[sflag:s23] =	ssyncset.done $0x0  }
0xa7: {  	s25 =	simm.s32 $0x1B8E;
	s24 =	sld [smem:$0x3FFE];
	[sflag:s23] =	ssyncadd.s32 $0xFFFFFFFF  }
0xa8: {  	s26 =	simm.s32 $execute0_lowered;
	[smem:$0x3FD2] =	sst s25  }
0xa9: {  	s8 =	sshll.u32 s26, $0x1;
	_ =	strace $0x80000046;
	[dreg:$0x1] =	wrdreg $0xFFFFFFFF  }
0xaa: {  	s28 =	simm.s32 $_size_execute0_lowered;
	s6 =	sadd.s32 s6, s8;
	[dreg:$0x0] =	wrdreg $0x0  }
0xab: {  	s8 =	sshll.u32 s28, $0x1;
	[dreg:$0x2] =	wrdreg s6  }
0xac: {  	[dreg:$0x3] =	wrdreg s8  }
0xad: {  	[dreg:$0x4] =	wrdreg $0xC0  }
0xae: {  	_ =	task [dreg:s10], $0x5FFFF  }
0xaf: {  	[dreg:$0x1] =	wrdreg $0xFFFFFFFF  }
0xb0: {  	[dreg:$0x0] =	wrdreg $0x60  }
0xb1: {  	[dreg:$0x2] =	wrdreg s24  }
0xb2: {  	[dreg:$0x3] =	wrdreg s2  }
0xb3: {  	[dreg:$0x4] =	wrdreg s18  }
0xb4: {  	[dreg:$0x5] =	wrdreg s4  }
0xb5: {  	[dreg:$0x6] =	wrdreg s5  }
0xb6: {  	[dreg:$0x7] =	wrdreg $0x9  }
0xb7: {  	_ =	task.clear_ibuf [dreg:s10], $0x8FFFF;
	_ =	strace $0x90000046  }
0xb8: {  	s29 =	simm.s32 $0x9;
	_ =	strace $0x80000048  }
0xb9: {  	_ =	swait.ge [sflag:s29], $0x1  }
0xba: {  	[sflag:s29] =	ssyncadd.s32 $0xFFFFFFFF  }
0xbb: {  	_ =	strace $0x90000048  }
0xbc: {  	_ =	sfence  }
0xbd: {  	s30 =	sld [smem:$0x0];
	_ =	sdelay $0x2  }
0xbe: {  	s31 =	sshll.u32 s1, $0xD;
	s1 =	sshrl.u32 s1, $0x2  }
0xbf: {  	s3 =	sand.u32 $0x4000, s31;
	s1 =	sadd.s32 s1, s30  }
0xc0: {  	s0 =	sor.u32 s3, s0;
	s1 =	sshll.u32 s1, $0x11  }
0xc1: {  	s0 =	sor.u32 s1, s0  }
0xc2: {  	s0 =	sadd.s32 $0x8F2B, s0  }
0xc3: {  	[sflag:s0] =	ssyncadd.remote.s32 $0x1  }
0xc4: {  	_ =	sfence.sel $0xFFFF  }
0xc5: {  	[dreg:$0x0] =	wrdreg $0xFFFFFFFF;
	(pc) =	sbr.abs _section_cstart, $3  }
0xc6: {  	[dreg:$0x1] =	wrdreg $0xFFFFFFFF  }
0xc7: {  	_ =	task.clear_ibuf [dreg:s10], $0x2FFFF;
	_ =	strace $0x9FFFFFFF  }
0xc8: {  	(tm) =	ssettm $0x7FFFFFFF  }
0xc9: {  	_ =	shalt  }
tec
execute0_lowered:
.L_overlay_start_1:
0x0: {  	(tag) =	ssettag $0x1  }
0x1: {  	s0 =	rddreg [dreg:$0x0]  }
0x2: {  	s2 =	rddreg [dreg:$0x1];
	s1 =	srdreg.scid  }
0x3: {  	s4 =	stileid.u32;
	s3 =	rddreg [dreg:$0x4];
	s6 =	simm.s32 $0x0  }
0x4: {  	s16 =	simm.s32 $0x3;
	s20 =	simm.s32 $0x1;
	s21 =	simm.s32 $0x4  }
0x5: {  	s22 =	simm.s32 $0x1000;
	s23 =	simm.s32 $0x2000;
	s24 =	simm.s32 $0x2080  }
0x6: {  	s25 =	simm.s32 $0x2480;
	s26 =	simm.s32 $0xA480;
	s28 =	simm.s32 $0x12480  }
0x7: {  	s29 =	simm.s32 $0x2;
	s1 =	sand.u32 $0x1, s1;
	s4 =	sshll.u32 s4, $0x1  }
0x8: {  	s30 =	simm.s32 $0x0;
	[smem:$0x7FF] =	sst s6;
	s7 =	sor.u32 s1, s4  }
0x9: {  	s8 =	sadd.s32 $0x6A00, s0;
	s9 =	sadd.s32 $0x3600, s0;
	s4 =	smul.u32 $0xD0, s7  }
.Ltmp0:
0xa: {  	s10 =	sadd.s32 $0x200, s0;
	s1 =	ssub.s32 $0x2, s1;
	(pc) =	sbr.rel .LBB2_1-.Ltmp0, $4  }
0xb: {  	s11 =	sadd.s32 $0xB800, s0;
	_ =	strace $0x80000047;
	s5 =	sshrl.u32 s1, $0x1  }
0xc: {  	s13 =	sshll.u32 s7, $0xB;
	s31 =	sand.u32 $0x3, s7;
	s4 =	sadd.s32 s4, s0  }
0xd: {  	v0 =	vlaneseq.u32;
	s1 =	ssub.s32 s1, s5;
	s13 =	sadd.s32 s3, s13;
	s4 =	sadd.s32 $0x9E00, s4  }
0xe: {  	v1 =	vadd.s32 $0x18, v0;
	v2 =	vadd.s32 $0x19, v0;
	p0 =	sne.s32 s31, $0x0;
	s14 =	smax.u32 s1, $0x1;
	[dreg:$0x6] =	wrdreg s4  }
.LBB2_33:
0xf: {  	s30 =	sadd.s32 $0x1, s30  }
0x10: {  	p1 =	sne.s32 s30, s14  }
.Ltmp1:
0x11: {  	_ = 	snop;
	(pc) =	sbr.rel @!p1 .LBB2_34-.Ltmp1, $1  }
0x12: {  	_ =	sdelay $0x3  }
.LBB2_1:
0x13: {  	s1 =	rddreg [dreg:$0x6];
	s3 =	simm.s32 $0x1A480  }
0x14: {  	[tilespmem:s3], [sflag:$0x3] =	stream.linear.gather [hbm4b:s1+s6], $0x680, $0x38;
	[tilespmem:$0x1F400] =	vst v63  }
0x15: {  	_ =	swait.ge [sflag:s16], $0x680  }
0x16: {  	[sflag:s16] =	ssyncset.done $0x0  }
0x17: {  	[sflag:s16] =	ssyncadd.s32 $0xFFFFF980  }
0x18: {  	s17 =	simm.s32 $0x1AB80;
	s15 =	rddreg [dreg:$0x2]  }
0x19: {  	[tilespmem:s17], [sflag:$0x3] =	stream.linear.gather [hbm4b:s15+s6], $0x680, $0x38;
	[tilespmem:$0x1F400] =	vst v63  }
0x1a: {  	_ =	swait.ge [sflag:s16], $0x680  }
0x1b: {  	[sflag:s16] =	ssyncset.done $0x0  }
0x1c: {  	[sflag:s16] =	ssyncadd.s32 $0xFFFFF980  }
0x1d: {  	s19 =	simm.s32 $0x1B380;
	s18 =	rddreg [dreg:$0x3]  }
0x1e: {  	[tilespmem:s19], [sflag:$0x3] =	stream.linear.gather [hbm4b:s18+s6], $0x80, $0x38;
	[tilespmem:$0x1F400] =	vst v63  }
0x1f: {  	_ =	swait.ge [sflag:s16], $0x80  }
0x20: {  	[sflag:s16] =	ssyncset.done $0x0  }
0x21: {  	[sflag:s16] =	ssyncadd.s32 $0xFFFFFF80  }
0x22: {  	s31 =	simm.s32 $0x0;
	v8 =	vld [tilespmem:$0x1AB80]  }
0x23: {  	v31 =	vld [tilespmem:s31+$0x1A480]  }
0x24: {  	v6 =	vld [tilespmem:$0x1AC00]  }
0x25: {  	v14 =	vld [tilespmem:$0x1AB90]  }
0x26: {  	v3 =	vld [tilespmem:$0x1AC10]  }
0x27: {  	v16 =	vld [tilespmem:$0x1B380]  }
0x28: {  	v12 =	vld [tilespmem:$0x1B390];
	v5 =	vbroadcast v31, $0x0  }
0x29: {  	v9 =	vld [tilespmem:$0x1AC80]  }
0x2a: {  	v4 =	vld [tilespmem:$0x1AC90];
	v11 =	vbroadcast v31, $0x1;
	v10 =	vmul.f32 v5, v8  }
0x2b: {  	v7 =	vld [tilespmem:$0x1AD00];
	v13 =	vmul.f32 v5, v14  }
0x2c: {  	v18 =	vbroadcast v31, $0x2;
	v5 =	vld [tilespmem:$0x1AD10];
	v17 =	vmul.f32 v11, v6;
	v15 =	vadd.f32 v10, v16  }
0x2d: {  	v20 =	vmul.f32 v11, v3;
	v10 =	vld [tilespmem:$0x1AD80];
	v19 =	vadd.f32 v13, v12  }
0x2e: {  	v22 =	vbroadcast v31, $0x3;
	v11 =	vld [tilespmem:$0x1AD90];
	v21 =	vmul.f32 v18, v9;
	v17 =	vadd.f32 v15, v17  }
0x2f: {  	v18 =	vmul.f32 v18, v4;
	v13 =	vld [tilespmem:$0x1AE00];
	v19 =	vadd.f32 v19, v20  }
0x30: {  	v23 =	vbroadcast v31, $0x4;
	v15 =	vld [tilespmem:$0x1AE10];
	v20 =	vadd.f32 v17, v21;
	v21 =	vmul.f32 v22, v7  }
0x31: {  	v17 =	vld [tilespmem:$0x1AE80];
	v24 =	vadd.f32 v19, v18;
	v22 =	vmul.f32 v22, v5  }
0x32: {  	v26 =	vbroadcast v31, $0x5;
	v18 =	vld [tilespmem:$0x1AE90];
	v25 =	vmul.f32 v23, v10;
	v21 =	vadd.f32 v20, v21  }
0x33: {  	v19 =	vld [tilespmem:$0x1AF00];
	v23 =	vmul.f32 v23, v11;
	v22 =	vadd.f32 v24, v22  }
0x34: {  	v27 =	vbroadcast v31, $0x6;
	v20 =	vld [tilespmem:$0x1AF10];
	v24 =	vadd.f32 v21, v25;
	v25 =	vmul.f32 v26, v13  }
0x35: {  	v21 =	vld [tilespmem:$0x1AF80];
	v28 =	vadd.f32 v22, v23;
	v26 =	vmul.f32 v26, v15  }
0x36: {  	v30 =	vbroadcast v31, $0x7;
	v22 =	vld [tilespmem:$0x1AF90];
	v29 =	vmul.f32 v27, v17;
	v25 =	vadd.f32 v24, v25  }
0x37: {  	v23 =	vld [tilespmem:$0x1B000];
	v27 =	vmul.f32 v27, v18;
	v26 =	vadd.f32 v28, v26  }
0x38: {  	v32 =	vbroadcast v31, $0x8;
	v24 =	vld [tilespmem:$0x1B010];
	v28 =	vadd.f32 v25, v29;
	v29 =	vmul.f32 v30, v19  }
0x39: {  	v25 =	vld [tilespmem:$0x1B080];
	v33 =	vadd.f32 v26, v27;
	v30 =	vmul.f32 v30, v20  }
0x3a: {  	v35 =	vbroadcast v31, $0x9;
	v26 =	vld [tilespmem:$0x1B090];
	v34 =	vmul.f32 v32, v21;
	v29 =	vadd.f32 v28, v29  }
0x3b: {  	v27 =	vld [tilespmem:$0x1B100];
	v32 =	vmul.f32 v32, v22;
	v30 =	vadd.f32 v33, v30  }
0x3c: {  	v36 =	vbroadcast v31, $0xA;
	v58 =	vmul.f32 v35, v23;
	v28 =	vld [tilespmem:$0x1B110];
	v57 =	vadd.f32 v29, v34  }
0x3d: {  	v35 =	vmul.f32 v35, v24;
	v29 =	vld [tilespmem:$0x1B180];
	v32 =	vadd.f32 v30, v32  }
0x3e: {  	v37 =	vbroadcast v31, $0xB;
	v30 =	vld [tilespmem:$0x1B190];
	v59 =	vmul.f32 v36, v25;
	v33 =	vadd.f32 v57, v58  }
0x3f: {  	v60 =	vmul.f32 v36, v26;
	v32 =	vadd.f32 v32, v35  }
0x40: {  	v31 =	vbroadcast v31, $0xC;
	v61 =	vmul.f32 v37, v27;
	v33 =	vadd.f32 v33, v59  }
0x41: {  	v62 =	vmul.f32 v37, v28;
	v32 =	vadd.f32 v32, v60  }
0x42: {  	v63 =	vmul.f32 v31, v29;
	v33 =	vadd.f32 v33, v61  }
0x43: {  	v31 =	vmul.f32 v31, v30;
	v32 =	vadd.f32 v32, v62  }
0x44: {  	v33 =	vadd.f32 v33, v63  }
0x45: {  	s1 =	simm.s32 $0x1B410;
	v31 =	vadd.f32 v32, v31  }
0x46: {  	[tilespmem:s1+$0xFFFFFFF0] =	vst v33  }
0x47: {  	s4 =	simm.s32 $0xD;
	s3 =	simm.s32 $0x68;
	[tilespmem:s1+$0x0] =	vst v31  }
.LBB2_2:
0x48: {  	p1 =	sne.s32 s3, $0x19CC;
	v31 =	vld [tilespmem:s4+$0x1A480];
	_ =	sdelay $0x4  }
0x49: {  	v32 =	vbroadcast v31, $0x0;
	_ =	sdelay $0x1  }
0x4a: {  	v34 =	vbroadcast v31, $0x1;
	v33 =	vmul.f32 v32, v8  }
0x4b: {  	v32 =	vmul.f32 v32, v14  }
0x4c: {  	v36 =	vbroadcast v31, $0x2;
	v35 =	vmul.f32 v34, v6;
	v33 =	vadd.f32 v33, v16  }
0x4d: {  	v34 =	vmul.f32 v34, v3;
	v32 =	vadd.f32 v32, v12  }
0x4e: {  	v37 =	vbroadcast v31, $0x3;
	v33 =	vadd.f32 v33, v35;
	v35 =	vmul.f32 v36, v9  }
0x4f: {  	v32 =	vadd.f32 v32, v34;
	v34 =	vmul.f32 v36, v4  }
0x50: {  	v36 =	vbroadcast v31, $0x4;
	v33 =	vadd.f32 v33, v35;
	v35 =	vmul.f32 v37, v7  }
0x51: {  	v32 =	vadd.f32 v32, v34;
	v34 =	vmul.f32 v37, v5  }
0x52: {  	v37 =	vbroadcast v31, $0x5;
	v33 =	vadd.f32 v33, v35;
	v35 =	vmul.f32 v36, v10  }
0x53: {  	v32 =	vadd.f32 v32, v34;
	v34 =	vmul.f32 v36, v11  }
0x54: {  	v36 =	vbroadcast v31, $0x6;
	v33 =	vadd.f32 v33, v35;
	v35 =	vmul.f32 v37, v13  }
0x55: {  	v32 =	vadd.f32 v32, v34;
	v34 =	vmul.f32 v37, v15  }
0x56: {  	v37 =	vbroadcast v31, $0x7;
	v33 =	vadd.f32 v33, v35;
	v35 =	vmul.f32 v36, v17  }
0x57: {  	v32 =	vadd.f32 v32, v34;
	v34 =	vmul.f32 v36, v18  }
0x58: {  	v36 =	vbroadcast v31, $0x8;
	v33 =	vadd.f32 v33, v35;
	v35 =	vmul.f32 v37, v19  }
0x59: {  	v32 =	vadd.f32 v32, v34;
	v34 =	vmul.f32 v37, v20  }
0x5a: {  	v37 =	vbroadcast v31, $0x9;
	v33 =	vadd.f32 v33, v35;
	v35 =	vmul.f32 v36, v21  }
0x5b: {  	v32 =	vadd.f32 v32, v34;
	v34 =	vmul.f32 v36, v22  }
0x5c: {  	v36 =	vbroadcast v31, $0xA;
	v33 =	vadd.f32 v33, v35;
	v35 =	vmul.f32 v37, v23  }
0x5d: {  	v32 =	vadd.f32 v32, v34;
	v34 =	vmul.f32 v37, v24  }
0x5e: {  	v37 =	vbroadcast v31, $0xB;
	v33 =	vadd.f32 v33, v35;
	v35 =	vmul.f32 v36, v25  }
0x5f: {  	v32 =	vadd.f32 v32, v34;
	v34 =	vmul.f32 v36, v26  }
0x60: {  	v31 =	vbroadcast v31, $0xC;
	v33 =	vadd.f32 v33, v35;
	v35 =	vmul.f32 v37, v27  }
0x61: {  	v32 =	vadd.f32 v32, v34;
	v34 =	vmul.f32 v37, v28  }
0x62: {  	v33 =	vadd.f32 v33, v35;
	v35 =	vmul.f32 v31, v29;
	v31 =	vmul.f32 v31, v30  }
.Ltmp2:
0x63: {  	v32 =	vadd.f32 v32, v34;
	(pc) =	sbr.rel @p1 .LBB2_2-.Ltmp2, $4  }
0x64: {  	v33 =	vadd.f32 v33, v35  }
0x65: {  	s1 =	sadd.s32 $0x80, s1;
	v31 =	vadd.f32 v32, v31  }
0x66: {  	[tilespmem:s1+$0xFFFFFFF0] =	vst v33  }
0x67: {  	s4 =	sshra.s32 s3, $0x2;
	s3 =	sadd.s32 $0x34, s3;
	[tilespmem:s1+$0x0] =	vst v31  }
0x68: {  	v31 =	vld [tilespmem:s4+$0x1A480];
	_ =	sdelay $0x4  }
0x69: {  	v32 =	vbroadcast v31, $0x0;
	_ =	sdelay $0x1  }
0x6a: {  	v33 =	vbroadcast v31, $0x1;
	v8 =	vmul.f32 v32, v8  }
0x6b: {  	v14 =	vmul.f32 v32, v14  }
0x6c: {  	v63 =	vbroadcast v31, $0x2;
	v6 =	vmul.f32 v33, v6;
	v8 =	vadd.f32 v8, v16  }
0x6d: {  	v3 =	vmul.f32 v33, v3;
	v12 =	vadd.f32 v14, v12  }
0x6e: {  	v32 =	vmul.f32 v63, v9;
	v33 =	vbroadcast v31, $0x3;
	v6 =	vadd.f32 v8, v6  }
0x6f: {  	v4 =	vmul.f32 v63, v4;
	v3 =	vadd.f32 v12, v3  }
0x70: {  	v34 =	vbroadcast v31, $0x4;
	v7 =	vmul.f32 v33, v7;
	v6 =	vadd.f32 v6, v32  }
0x71: {  	v35 =	vmul.f32 v33, v5;
	v3 =	vadd.f32 v3, v4  }
0x72: {  	v38 =	vbroadcast v31, $0x5;
	v37 =	vmul.f32 v34, v10;
	v36 =	vadd.f32 v6, v7  }
0x73: {  	v39 =	vmul.f32 v34, v11;
	v3 =	vadd.f32 v3, v35  }
0x74: {  	v41 =	vbroadcast v31, $0x6;
	v40 =	vmul.f32 v38, v13;
	v5 =	vadd.f32 v36, v37  }
0x75: {  	v42 =	vmul.f32 v38, v15;
	v3 =	vadd.f32 v3, v39  }
0x76: {  	v44 =	vbroadcast v31, $0x7;
	v43 =	vmul.f32 v41, v17;
	v5 =	vadd.f32 v5, v40  }
0x77: {  	v45 =	vmul.f32 v41, v18;
	v3 =	vadd.f32 v3, v42  }
0x78: {  	v47 =	vbroadcast v31, $0x8;
	v46 =	vmul.f32 v44, v19;
	v5 =	vadd.f32 v5, v43  }
0x79: {  	v48 =	vmul.f32 v44, v20;
	v3 =	vadd.f32 v3, v45  }
0x7a: {  	v50 =	vbroadcast v31, $0x9;
	v49 =	vmul.f32 v47, v21;
	v5 =	vadd.f32 v5, v46  }
0x7b: {  	v51 =	vmul.f32 v47, v22;
	v3 =	vadd.f32 v3, v48  }
0x7c: {  	v53 =	vbroadcast v31, $0xA;
	v52 =	vmul.f32 v50, v23;
	v5 =	vadd.f32 v5, v49  }
0x7d: {  	v54 =	vmul.f32 v50, v24;
	v3 =	vadd.f32 v3, v51  }
0x7e: {  	v56 =	vbroadcast v31, $0xB;
	v55 =	vmul.f32 v53, v25;
	v5 =	vadd.f32 v5, v52  }
0x7f: {  	v57 =	vmul.f32 v53, v26;
	v3 =	vadd.f32 v3, v54  }
0x80: {  	v59 =	vbroadcast v31, $0xC;
	v58 =	vmul.f32 v56, v27;
	v5 =	vadd.f32 v5, v55  }
0x81: {  	v60 =	vmul.f32 v56, v28;
	v3 =	vadd.f32 v3, v57  }
0x82: {  	v61 =	vmul.f32 v59, v29;
	v5 =	vadd.f32 v5, v58  }
0x83: {  	v62 =	vmul.f32 v59, v30;
	v3 =	vadd.f32 v3, v60  }
0x84: {  	v63 =	vadd.f32 v5, v61  }
0x85: {  	s1 =	sadd.s32 $0x80, s1;
	v3 =	vadd.f32 v3, v62  }
0x86: {  	[tilespmem:s1+$0xFFFFFFF0] =	vst v63  }
.Ltmp3:
0x87: {  	s31 =	simm.s32 $0x0;
	s19 =	simm.s32 $0x1B400;
	[tilespmem:s1+$0x0] =	vst v3;
	(pc) =	sbr.rel .LBB2_4-.Ltmp3, $4  }
0x88: {  	[hbm4b:s13+s31] =	stream.linear.scatter [tilespmem:s19], [sflag:$0x3], $0x4000, $0x38;
	[tilespmem:$0x1F400] =	vst v63  }
0x89: {  	_ =	swait.ge [sflag:s16], $0x4000  }
0x8a: {  	[sflag:s16] =	ssyncset.done $0x0  }
0x8b: {  	[sflag:s16] =	ssyncadd.s32 $0xFFFFC000  }
.LBB2_27:
0x8c: {  	_ = 	snop  }
.LBB2_30:
0x8d: {  	_ =	sdelay $0x4  }
0x8e: {  	[tilespmem:v7+s28+$0x0] =	vst.idx.msk @p1 vm0, v6  }
0x8f: {  	v6 =	vld.idx.msk [tilespmem:v5+s6+$0x0], $0xffff;
	_ =	sdelay $0x4  }
0x90: {  	v6 =	vadd.s32 $0xFFFE7980, v6  }
0x91: {  	v48 =	vld.idx.msk [tilespmem:v5+s22+$0x0], $0xffff;
	vm14 =	vgt.s32 v6, $0x0  }
0x92: {  	v6 =	vnsel vm14, $0x0, v6  }
0x93: {  	v6 =	vmin.u32 v6, $0x1F;
	_ =	sdelay $0x2  }
0x94: {  	v49 =	vshll.u32 v48, $0x3  }
0x95: {  	vm15 =	vlt.s32 v4, v3;
	v3 =	vand.u32 $0x7F, v48;
	v50 =	vand.u32 $0xFFFFFC00, v49  }
0x96: {  	v3 =	vor.u32 v3, v50;
	v51 =	vld.idx.msk [tilespmem:v6+s24+$0x0], $0xffff  }
0x97: {  	v52 =	vor.u32 $0x80, v6;
	_ =	sdelay $0x3  }
0x98: {  	[tilespmem:v3+s28+$0x0] =	vst.idx.msk vm15, v51  }
0x99: {  	v53 =	vor.u32 $0x80, v3;
	v4 =	vld.idx.msk [tilespmem:v52+s24+$0x0], $0xffff  }
0x9a: {  	v54 =	vor.u32 $0x100, v6;
	_ =	sdelay $0x3  }
0x9b: {  	[tilespmem:v53+s28+$0x0] =	vst.idx.msk vm15, v4  }
0x9c: {  	v55 =	vor.u32 $0x100, v3;
	v4 =	vld.idx.msk [tilespmem:v54+s24+$0x0], $0xffff  }
0x9d: {  	v56 =	vor.u32 $0x180, v6;
	_ =	sdelay $0x3  }
0x9e: {  	[tilespmem:v55+s28+$0x0] =	vst.idx.msk vm15, v4  }
0x9f: {  	v57 =	vor.u32 $0x180, v3;
	v4 =	vld.idx.msk [tilespmem:v56+s24+$0x0], $0xffff  }
0xa0: {  	v58 =	vor.u32 $0x200, v6;
	_ =	sdelay $0x3  }
0xa1: {  	[tilespmem:v57+s28+$0x0] =	vst.idx.msk vm15, v4  }
0xa2: {  	v59 =	vor.u32 $0x200, v3;
	v4 =	vld.idx.msk [tilespmem:v58+s24+$0x0], $0xffff  }
0xa3: {  	v60 =	vor.u32 $0x280, v6;
	_ =	sdelay $0x3  }
0xa4: {  	[tilespmem:v59+s28+$0x0] =	vst.idx.msk vm15, v4  }
0xa5: {  	v61 =	vor.u32 $0x280, v3;
	v4 =	vld.idx.msk [tilespmem:v60+s24+$0x0], $0xffff  }
0xa6: {  	v62 =	vor.u32 $0x300, v6;
	_ =	sdelay $0x3  }
0xa7: {  	[tilespmem:v61+s28+$0x0] =	vst.idx.msk vm15, v4  }
0xa8: {  	v63 =	vor.u32 $0x300, v3;
	v4 =	vld.idx.msk [tilespmem:v62+s24+$0x0], $0xffff  }
0xa9: {  	v6 =	vor.u32 $0x380, v6;
	_ =	sdelay $0x3  }
0xaa: {  	[tilespmem:v63+s28+$0x0] =	vst.idx.msk vm15, v4  }
0xab: {  	v3 =	vor.u32 $0x380, v3;
	v4 =	vld.idx.msk [tilespmem:v6+s24+$0x0], $0xffff;
	_ =	sdelay $0x4  }
0xac: {  	[tilespmem:v3+s28+$0x0] =	vst.idx.msk vm15, v4  }
.LBB2_31:
0xad: {  	s3 =	sshll.u32 s4, $0x11;
	s1 =	sshll.u32 s1, $0xC  }
0xae: {  	s1 =	sadd.s32 s3, s1  }
0xaf: {  	s1 =	sshrl.u32 s1, $0x3  }
0xb0: {  	s1 =	sadd.s32 s11, s1  }
0xb1: {  	[hbm4b:s1+s6] =	stream.linear.scatter [tilespmem:s28], [sflag:$0x3], $0x8000, $0x38;
	[tilespmem:$0x1F400] =	vst v63  }
0xb2: {  	_ =	swait.ge [sflag:s16], $0x8000  }
0xb3: {  	[sflag:s16] =	ssyncset.done $0x0  }
0xb4: {  	[sflag:s16] =	ssyncadd.s32 $0xFFFF8000  }
.LBB2_32:
0xb5: {  	s31 =	sadd.s32 $0x1, s31  }
0xb6: {  	p1 =	sne.s32 s31, $0x4  }
.Ltmp4:
0xb7: {  	_ = 	snop;
	(pc) =	sbr.rel @!p1 .LBB2_33-.Ltmp4, $1  }
0xb8: {  	_ =	sdelay $0x3  }
.LBB2_4:
0xb9: {  	s1 =	sshll.u32 s31, $0x5  }
0xba: {  	s5 =	sor.u32 s7, s1  }
0xbb: {  	p1 =	sgt.u32 s5, $0x67  }
.Ltmp5:
0xbc: {  	_ = 	snop;
	(pc) =	sbr.rel @p1 .LBB2_32-.Ltmp5, $1  }
0xbd: {  	_ =	sdelay $0x3  }
0xbe: {  	p1 =	seq.s32 s5, $0x0  }
0xbf: {  	p1 =	por !p0, !p1  }
0xc0: {  	s1 =	simm.s32 $0x1;
	p1 =	por !p1, !p1  }
0xc1: {  	s3 =	sshrl.u32 s5, $0x2;
	s1 =	simm.s32 @!p1 $0x0  }
0xc2: {  	s4 =	ssub.s32 s3, s1  }
0xc3: {  	s1 =	sshll.u32 s4, $0x9  }
0xc4: {  	s1 =	sand.u32 $0x1FFFFE00, s1  }
0xc5: {  	s3 =	simm.s32 $0x0;
	s15 =	sadd.s32 s8, s1  }
0xc6: {  	[tilespmem:s3], [sflag:$0x4] =	stream.linear.gather [hbm4b:s15+s3], $0x1000, $0x38;
	[tilespmem:$0x1F400] =	vst v63  }
0xc7: {  	_ =	swait.ge [sflag:s21], $0x1000  }
0xc8: {  	[sflag:s21] =	ssyncset.done $0x0  }
0xc9: {  	s1 =	sadd.s32 s9, s1;
	[sflag:s21] =	ssyncadd.s32 $0xFFFFF000  }
0xca: {  	[tilespmem:s22], [sflag:$0x4] =	stream.linear.gather [hbm4b:s1+s3], $0x1000, $0x38;
	[tilespmem:$0x1F400] =	vst v63  }
0xcb: {  	s15 =	sshll.u32 s4, $0x3;
	_ =	swait.ge [sflag:s21], $0x1000  }
0xcc: {  	s18 =	sshll.u32 s5, $0x3;
	s1 =	sand.u32 $0x1FFFFFF8, s15;
	[sflag:s21] =	ssyncset.done $0x0  }
0xcd: {  	s17 =	sshll.u32 s4, $0x5;
	s1 =	sadd.s32 s0, s1;
	[sflag:s21] =	ssyncadd.s32 $0xFFFFF000  }
0xce: {  	[tilespmem:s23], [sflag:$0x4] =	stream.linear.gather [hbm4b:s1+s3], $0x40, $0x38;
	[tilespmem:$0x1F400] =	vst v63  }
0xcf: {  	s19 =	sshll.u32 s5, $0x7;
	s1 =	ssub.s32 s18, s17;
	_ =	swait.ge [sflag:s21], $0x40  }
0xd0: {  	s17 =	smul.u32 $0x30E000, s4;
	s15 =	sshrl.u32 s1, $0x3;
	[sflag:s21] =	ssyncset.done $0x0  }
0xd1: {  	s5 =	sadd.s32 s10, s19;
	s15 =	smul.u32 $0xC3800, s15;
	[sflag:s21] =	ssyncadd.s32 $0xFFFFFFC0  }
0xd2: {  	[tilespmem:s24], [sflag:$0x4] =	stream.linear.gather [hbm4b:s5+s3], $0x400, $0x38;
	[tilespmem:$0x1F400] =	vst v63  }
.Ltmp6:
0xd3: {  	s5 =	sadd.s32 s17, s15;
	_ =	swait.ge [sflag:s21], $0x400;
	(pc) =	sbr.rel .LBB2_6-.Ltmp6, $4  }
0xd4: {  	s15 =	sshrl.u32 s5, $0x3;
	[sflag:s21] =	ssyncset.done $0x0  }
0xd5: {  	s15 =	sadd.s32 s2, s15;
	[sflag:s21] =	ssyncadd.s32 $0xFFFFFC00  }
0xd6: {  	[tilespmem:s25], [sflag:$0x1] =	stream.linear.gather [hbm4b:s15+s3], $0x8000, $0x38;
	[tilespmem:$0x1F400] =	vst v63  }
0xd7: {  	s15 =	sadd.s32 $0x10000, s5  }
.LBB2_14:
0xd8: {  	_ = 	snop  }
.LBB2_17:
0xd9: {  	_ =	sdelay $0x4  }
0xda: {  	[tilespmem:v8+s28+$0x0] =	vst.idx.msk @p1 vm0, v7  }
0xdb: {  	v7 =	vld.idx.msk [tilespmem:v6+s6+$0x0], $0xffff;
	_ =	sdelay $0x4  }
0xdc: {  	v4 =	vsub.s32 v7, v4  }
0xdd: {  	vm14 =	vgt.s32 v4, $0x0  }
0xde: {  	v4 =	vnsel vm14, $0x0, v4  }
0xdf: {  	v4 =	vmin.u32 v4, $0xFFF  }
0xe0: {  	v47 =	vld.idx.msk [tilespmem:v6+s22+$0x0], $0xffff;
	v48 =	vshll.u32 v4, $0x3  }
0xe1: {  	v4 =	vand.u32 $0x7F, v4;
	v7 =	vand.u32 $0x7C00, v48  }
0xe2: {  	v4 =	vor.u32 v4, v7;
	_ =	sdelay $0x2  }
0xe3: {  	v49 =	vshll.u32 v47, $0x3  }
0xe4: {  	vm15 =	vlt.s32 v5, v3;
	v3 =	vand.u32 $0x7F, v47;
	v50 =	vand.u32 $0xFFFFFC00, v49  }
0xe5: {  	v3 =	vor.u32 v3, v50;
	v51 =	vld.idx.msk [tilespmem:v4+s26+$0x0], $0xffff  }
0xe6: {  	v52 =	vor.u32 $0x80, v4;
	_ =	sdelay $0x3  }
0xe7: {  	[tilespmem:v3+s28+$0x0] =	vst.idx.msk vm15, v51  }
0xe8: {  	v53 =	vor.u32 $0x80, v3;
	v5 =	vld.idx.msk [tilespmem:v52+s26+$0x0], $0xffff  }
0xe9: {  	v54 =	vor.u32 $0x100, v4;
	_ =	sdelay $0x3  }
0xea: {  	[tilespmem:v53+s28+$0x0] =	vst.idx.msk vm15, v5  }
0xeb: {  	v55 =	vor.u32 $0x100, v3;
	v5 =	vld.idx.msk [tilespmem:v54+s26+$0x0], $0xffff  }
0xec: {  	v56 =	vor.u32 $0x180, v4;
	_ =	sdelay $0x3  }
0xed: {  	[tilespmem:v55+s28+$0x0] =	vst.idx.msk vm15, v5  }
0xee: {  	v57 =	vor.u32 $0x180, v3;
	v5 =	vld.idx.msk [tilespmem:v56+s26+$0x0], $0xffff  }
0xef: {  	v58 =	vor.u32 $0x200, v4;
	_ =	sdelay $0x3  }
0xf0: {  	[tilespmem:v57+s28+$0x0] =	vst.idx.msk vm15, v5  }
0xf1: {  	v59 =	vor.u32 $0x200, v3;
	v5 =	vld.idx.msk [tilespmem:v58+s26+$0x0], $0xffff  }
0xf2: {  	v60 =	vor.u32 $0x280, v4;
	_ =	sdelay $0x3  }
0xf3: {  	[tilespmem:v59+s28+$0x0] =	vst.idx.msk vm15, v5  }
0xf4: {  	v61 =	vor.u32 $0x280, v3;
	v5 =	vld.idx.msk [tilespmem:v60+s26+$0x0], $0xffff  }
0xf5: {  	v62 =	vor.u32 $0x300, v4;
	_ =	sdelay $0x3  }
0xf6: {  	[tilespmem:v61+s28+$0x0] =	vst.idx.msk vm15, v5  }
0xf7: {  	v63 =	vor.u32 $0x300, v3;
	v5 =	vld.idx.msk [tilespmem:v62+s26+$0x0], $0xffff  }
0xf8: {  	v4 =	vor.u32 $0x380, v4;
	_ =	sdelay $0x3  }
0xf9: {  	[tilespmem:v63+s28+$0x0] =	vst.idx.msk vm15, v5  }
0xfa: {  	v3 =	vor.u32 $0x380, v3;
	v4 =	vld.idx.msk [tilespmem:v4+s26+$0x0], $0xffff;
	_ =	sdelay $0x4  }
0xfb: {  	[tilespmem:v3+s28+$0x0] =	vst.idx.msk vm15, v4  }
.LBB2_18:
0xfc: {  	s3 =	sadd.s32 $0x1, s3  }
0xfd: {  	p1 =	sne.s32 s3, $0xC  }
.Ltmp7:
0xfe: {  	_ = 	snop;
	(pc) =	sbr.rel @!p1 .LBB2_19-.Ltmp7, $1  }
0xff: {  	_ =	sdelay $0x3  }
.LBB2_6:
0x100: {  	s17 =	sshllo.u32 s3, $0x1  }
0x101: {  	s18 =	sshll.u32 s17, $0xF  }
0x102: {  	s18 =	sadd.s32 s5, s18  }
0x103: {  	s19 =	sshll.u32 s3, $0x1;
	s18 =	sshrl.u32 s18, $0x3  }
0x104: {  	v3 =	vadd.s32 s19, v0;
	s18 =	sadd.s32 s2, s18  }
0x105: {  	[tilespmem:s26], [sflag:$0x2] =	stream.linear.gather [hbm4b:s18+s6], $0x8000, $0x38;
	[tilespmem:$0x1F400] =	vst v63  }
0x106: {  	_ =	swait.ge [sflag:s20], $0x8000  }
0x107: {  	[sflag:s20] =	ssyncset.done $0x0  }
0x108: {  	[sflag:s20] =	ssyncadd.s32 $0xFFFF8000  }
0x109: {  	v3 =	vld.idx.msk [tilespmem:v3+s23+$0x0], $0xffff;
	_ =	sdelay $0x4  }
0x10a: {  	(v2sf) =	vpush v3, $0x0  }
0x10b: {  	(v2sf) =	vpush v3, $0x1;
	_ =	sdelay $0xd  }
0x10c: {  	s18 =	spop (v2sf)  }
0x10d: {  	s12 =	spop (v2sf)  }
0x10e: {  	s19 =	ssub.s32 s12, s18  }
0x10f: {  	s19 =	sadd.s32 $0xF, s19  }
0x110: {  	s12 =	sand.u32 $0xF, s19  }
0x111: {  	p2 =	slt.s32 s19, $0x1;
	p1 =	sne.s32 s12, $0x0;
	s12 =	sshra.s32 s19, $0x1F  }
0x112: {  	s12 =	sshrl.u32 s12, $0x1C;
	p1 =	por !p2, !p1  }
0x113: {  	s12 =	sadd.s32 s12, s19;
	p1 =	por !p1, !p1;
	s19 =	simm.s32 $0x1  }
0x114: {  	s12 =	sshra.s32 s12, $0x4;
	s19 =	simm.s32 @!p1 $0x0  }
0x115: {  	s19 =	ssub.s32 s12, s19  }
0x116: {  	p1 =	slt.s32 s19, $0x1  }
.Ltmp8:
0x117: {  	_ = 	snop;
	(pc) =	sbr.rel @p1 .LBB2_12-.Ltmp8, $1  }
0x118: {  	_ =	sdelay $0x3  }
0x119: {  	p2 =	sne.s32 s19, $0x1  }
.Ltmp9:
0x11a: {  	_ = 	snop;
	(pc) =	sbr.rel @!p2 .LBB2_8-.Ltmp9, $4  }
0x11b: {  	_ = 	snop  }
0x11c: {  	v5 =	vadd.s32 s18, v0  }
0x11d: {  	s12 =	sshll.u32 s3, $0xD;
	vm0 =	vlt.s32 v5, $0xFFF  }
0x11e: {  	v3 =	vbroadcast v3, $0x1;
	s19 =	sadd.s32 $0xFFFFFFFF, s19;
	p1 =	por $0x0, $0x0;
	v4 =	vmov s12;
	v6 =	vnsel vm0, $0xFFF, v5  }
0x11f: {  	_ =	sdelay $0x3  }
0x120: {  	v7 =	vld.idx.msk [tilespmem:v6+s6+$0x0], $0xffff;
	_ =	sdelay $0x4  }
0x121: {  	v7 =	vsub.s32 v7, v4  }
0x122: {  	vm0 =	vgt.s32 v7, $0x0  }
0x123: {  	v7 =	vnsel vm0, $0x0, v7  }
0x124: {  	v7 =	vmin.u32 v7, $0xFFF  }
0x125: {  	v6 =	vld.idx.msk [tilespmem:v6+s22+$0x0], $0xffff;
	v8 =	vshll.u32 v7, $0x3  }
0x126: {  	v7 =	vand.u32 $0x7F, v7;
	v8 =	vand.u32 $0x7C00, v8  }
0x127: {  	v7 =	vor.u32 v7, v8;
	_ =	sdelay $0x2  }
0x128: {  	v8 =	vshll.u32 v6, $0x3  }
0x129: {  	vm0 =	vlt.s32 v5, v3;
	v5 =	vand.u32 $0x7F, v6;
	v6 =	vand.u32 $0xFFFFFC00, v8  }
0x12a: {  	v6 =	vor.u32 v5, v6;
	v8 =	vld.idx.msk [tilespmem:v7+s25+$0x0], $0xffff  }
0x12b: {  	v5 =	vor.u32 $0x80, v7;
	_ =	sdelay $0x3  }
0x12c: {  	[tilespmem:v6+s28+$0x0] =	vst.idx.msk vm0, v8  }
0x12d: {  	v8 =	vor.u32 $0x80, v6;
	v5 =	vld.idx.msk [tilespmem:v5+s25+$0x0], $0xffff  }
0x12e: {  	v9 =	vor.u32 $0x100, v7;
	_ =	sdelay $0x3  }
0x12f: {  	[tilespmem:v8+s28+$0x0] =	vst.idx.msk vm0, v5  }
0x130: {  	v8 =	vor.u32 $0x100, v6;
	v5 =	vld.idx.msk [tilespmem:v9+s25+$0x0], $0xffff  }
0x131: {  	v9 =	vor.u32 $0x180, v7;
	_ =	sdelay $0x3  }
0x132: {  	[tilespmem:v8+s28+$0x0] =	vst.idx.msk vm0, v5  }
0x133: {  	v8 =	vor.u32 $0x180, v6;
	v5 =	vld.idx.msk [tilespmem:v9+s25+$0x0], $0xffff  }
0x134: {  	v9 =	vor.u32 $0x200, v7;
	_ =	sdelay $0x3  }
0x135: {  	[tilespmem:v8+s28+$0x0] =	vst.idx.msk vm0, v5  }
0x136: {  	v8 =	vor.u32 $0x200, v6;
	v5 =	vld.idx.msk [tilespmem:v9+s25+$0x0], $0xffff  }
0x137: {  	v9 =	vor.u32 $0x280, v7;
	_ =	sdelay $0x3  }
0x138: {  	[tilespmem:v8+s28+$0x0] =	vst.idx.msk vm0, v5  }
0x139: {  	v8 =	vor.u32 $0x280, v6;
	v5 =	vld.idx.msk [tilespmem:v9+s25+$0x0], $0xffff  }
0x13a: {  	v9 =	vor.u32 $0x300, v7;
	_ =	sdelay $0x3  }
0x13b: {  	[tilespmem:v8+s28+$0x0] =	vst.idx.msk vm0, v5  }
0x13c: {  	v8 =	vld.idx.msk [tilespmem:v9+s25+$0x0], $0xffff;
	v9 =	vor.u32 $0x300, v6  }
0x13d: {  	v7 =	vor.u32 $0x380, v7  }
0x13e: {  	p2 =	sne.s32 s19, $0x1  }
.Ltmp10:
0x13f: {  	_ = 	snop;
	(pc) =	sbr.rel @!p2 .LBB2_11-.Ltmp10, $4  }
0x140: {  	s18 =	sadd.s32 $0x10, s18  }
0x141: {  	v5 =	vadd.s32 s18, v0;
	[tilespmem:v9+s28+$0x0] =	vst.idx.msk vm0, v8  }
0x142: {  	vm1 =	vlt.s32 v5, $0xFFF;
	v8 =	vor.u32 $0x380, v6;
	v7 =	vld.idx.msk [tilespmem:v7+s25+$0x0], $0xffff  }
0x143: {  	s19 =	sadd.s32 $0xFFFFFFFF, s19;
	p1 =	por $0x1, $0x1;
	v6 =	vnsel vm1, $0xFFF, v5  }
.LBB2_10:
0x144: {  	_ =	sdelay $0x2  }
0x145: {  	p2 =	sne.s32 s19, $0x1;
	s19 =	sadd.s32 $0xFFFFFFFF, s19;
	[tilespmem:v8+s28+$0x0] =	vst.idx.msk vm0, v7  }
0x146: {  	v7 =	vld.idx.msk [tilespmem:v6+s6+$0x0], $0xffff;
	_ =	sdelay $0x5  }
0x147: {  	v7 =	vsub.s32 v7, v4  }
0x148: {  	vm0 =	vgt.s32 v7, $0x0  }
0x149: {  	v7 =	vnsel vm0, $0x0, v7  }
0x14a: {  	v7 =	vmin.u32 v7, $0xFFF  }
0x14b: {  	v8 =	vshll.u32 v7, $0x3;
	v6 =	vld.idx.msk [tilespmem:v6+s22+$0x0], $0xffff  }
0x14c: {  	v7 =	vand.u32 $0x7F, v7;
	v8 =	vand.u32 $0x7C00, v8  }
0x14d: {  	v7 =	vor.u32 v7, v8;
	_ =	sdelay $0x3  }
0x14e: {  	v8 =	vshll.u32 v6, $0x3  }
0x14f: {  	vm0 =	vlt.s32 v5, v3;
	v6 =	vand.u32 $0x7F, v6;
	v8 =	vand.u32 $0xFFFFFC00, v8;
	v5 =	vld.idx.msk [tilespmem:v7+s25+$0x0], $0xffff  }
0x150: {  	v6 =	vor.u32 v6, v8  }
0x151: {  	v8 =	vor.u32 $0x80, v7;
	_ =	sdelay $0x3  }
0x152: {  	[tilespmem:v6+s28+$0x0] =	vst.idx.msk vm0, v5  }
0x153: {  	v5 =	vld.idx.msk [tilespmem:v8+s25+$0x0], $0xffff  }
0x154: {  	v8 =	vor.u32 $0x80, v6  }
0x155: {  	v9 =	vor.u32 $0x100, v7;
	_ =	sdelay $0x3  }
0x156: {  	[tilespmem:v8+s28+$0x0] =	vst.idx.msk vm0, v5  }
0x157: {  	v5 =	vld.idx.msk [tilespmem:v9+s25+$0x0], $0xffff  }
0x158: {  	v8 =	vor.u32 $0x100, v6  }
0x159: {  	v9 =	vor.u32 $0x180, v7;
	_ =	sdelay $0x3  }
0x15a: {  	[tilespmem:v8+s28+$0x0] =	vst.idx.msk vm0, v5  }
0x15b: {  	v5 =	vld.idx.msk [tilespmem:v9+s25+$0x0], $0xffff  }
0x15c: {  	v8 =	vor.u32 $0x180, v6  }
0x15d: {  	v9 =	vor.u32 $0x200, v7;
	_ =	sdelay $0x3  }
0x15e: {  	[tilespmem:v8+s28+$0x0] =	vst.idx.msk vm0, v5  }
0x15f: {  	v5 =	vld.idx.msk [tilespmem:v9+s25+$0x0], $0xffff  }
0x160: {  	v8 =	vor.u32 $0x200, v6  }
0x161: {  	v9 =	vor.u32 $0x280, v7;
	_ =	sdelay $0x3  }
0x162: {  	[tilespmem:v8+s28+$0x0] =	vst.idx.msk vm0, v5  }
0x163: {  	v5 =	vld.idx.msk [tilespmem:v9+s25+$0x0], $0xffff  }
0x164: {  	v8 =	vor.u32 $0x280, v6  }
0x165: {  	v9 =	vor.u32 $0x300, v7;
	_ =	sdelay $0x3  }
0x166: {  	[tilespmem:v8+s28+$0x0] =	vst.idx.msk vm0, v5  }
0x167: {  	v5 =	vld.idx.msk [tilespmem:v9+s25+$0x0], $0xffff  }
0x168: {  	v8 =	vor.u32 $0x300, v6  }
0x169: {  	v7 =	vor.u32 $0x380, v7;
	_ =	sdelay $0x2  }
.Ltmp11:
0x16a: {  	(pc) =	sbr.rel @p2 .LBB2_10-.Ltmp11, $4  }
0x16b: {  	s18 =	sadd.s32 $0x10, s18;
	[tilespmem:v8+s28+$0x0] =	vst.idx.msk vm0, v5  }
0x16c: {  	v5 =	vadd.s32 s18, v0;
	v7 =	vld.idx.msk [tilespmem:v7+s25+$0x0], $0xffff  }
0x16d: {  	v8 =	vor.u32 $0x380, v6;
	vm1 =	vlt.s32 v5, $0xFFF  }
0x16e: {  	v6 =	vnsel vm1, $0xFFF, v5  }
.LBB2_11:
0x16f: {  	_ =	sdelay $0x4  }
0x170: {  	[tilespmem:v8+s28+$0x0] =	vst.idx.msk @p1 vm0, v7  }
0x171: {  	v7 =	vld.idx.msk [tilespmem:v6+s6+$0x0], $0xffff;
	_ =	sdelay $0x4  }
0x172: {  	v4 =	vsub.s32 v7, v4  }
0x173: {  	vm14 =	vgt.s32 v4, $0x0  }
0x174: {  	v4 =	vnsel vm14, $0x0, v4  }
0x175: {  	v4 =	vmin.u32 v4, $0xFFF  }
0x176: {  	v47 =	vld.idx.msk [tilespmem:v6+s22+$0x0], $0xffff;
	v48 =	vshll.u32 v4, $0x3  }
0x177: {  	v4 =	vand.u32 $0x7F, v4;
	v7 =	vand.u32 $0x7C00, v48  }
0x178: {  	v4 =	vor.u32 v4, v7;
	_ =	sdelay $0x2  }
0x179: {  	v49 =	vshll.u32 v47, $0x3  }
0x17a: {  	vm15 =	vlt.s32 v5, v3;
	v3 =	vand.u32 $0x7F, v47;
	v50 =	vand.u32 $0xFFFFFC00, v49  }
0x17b: {  	v3 =	vor.u32 v3, v50;
	v51 =	vld.idx.msk [tilespmem:v4+s25+$0x0], $0xffff  }
0x17c: {  	v52 =	vor.u32 $0x80, v4;
	_ =	sdelay $0x3  }
0x17d: {  	[tilespmem:v3+s28+$0x0] =	vst.idx.msk vm15, v51  }
0x17e: {  	v53 =	vor.u32 $0x80, v3;
	v5 =	vld.idx.msk [tilespmem:v52+s25+$0x0], $0xffff  }
0x17f: {  	v54 =	vor.u32 $0x100, v4;
	_ =	sdelay $0x3  }
0x180: {  	[tilespmem:v53+s28+$0x0] =	vst.idx.msk vm15, v5  }
0x181: {  	v55 =	vor.u32 $0x100, v3;
	v5 =	vld.idx.msk [tilespmem:v54+s25+$0x0], $0xffff  }
0x182: {  	v56 =	vor.u32 $0x180, v4;
	_ =	sdelay $0x3  }
0x183: {  	[tilespmem:v55+s28+$0x0] =	vst.idx.msk vm15, v5  }
0x184: {  	v57 =	vor.u32 $0x180, v3;
	v5 =	vld.idx.msk [tilespmem:v56+s25+$0x0], $0xffff  }
0x185: {  	v58 =	vor.u32 $0x200, v4;
	_ =	sdelay $0x3  }
0x186: {  	[tilespmem:v57+s28+$0x0] =	vst.idx.msk vm15, v5  }
0x187: {  	v59 =	vor.u32 $0x200, v3;
	v5 =	vld.idx.msk [tilespmem:v58+s25+$0x0], $0xffff  }
0x188: {  	v60 =	vor.u32 $0x280, v4;
	_ =	sdelay $0x3  }
0x189: {  	[tilespmem:v59+s28+$0x0] =	vst.idx.msk vm15, v5  }
0x18a: {  	v61 =	vor.u32 $0x280, v3;
	v5 =	vld.idx.msk [tilespmem:v60+s25+$0x0], $0xffff  }
0x18b: {  	v62 =	vor.u32 $0x300, v4;
	_ =	sdelay $0x3  }
0x18c: {  	[tilespmem:v61+s28+$0x0] =	vst.idx.msk vm15, v5  }
0x18d: {  	v63 =	vor.u32 $0x300, v3;
	v5 =	vld.idx.msk [tilespmem:v62+s25+$0x0], $0xffff  }
0x18e: {  	v4 =	vor.u32 $0x380, v4;
	_ =	sdelay $0x3  }
0x18f: {  	[tilespmem:v63+s28+$0x0] =	vst.idx.msk vm15, v5  }
0x190: {  	v3 =	vor.u32 $0x380, v3;
	v4 =	vld.idx.msk [tilespmem:v4+s25+$0x0], $0xffff;
	_ =	sdelay $0x4  }
0x191: {  	[tilespmem:v3+s28+$0x0] =	vst.idx.msk vm15, v4  }
.LBB2_12:
0x192: {  	p1 =	seq.s32 s3, $0xB  }
0x193: {  	s12 =	sshll.u32 @!p1 s3, $0x10  }
0x194: {  	s12 =	sadd.s32 @!p1 s12, s15  }
0x195: {  	s12 =	sshrl.u32 @!p1 s12, $0x3  }
0x196: {  	v3 =	vadd.s32 s17, v0;
	s18 =	simm.s32 @!p1 $0x0;
	s19 =	simm.s32 @!p1 $0x2480;
	s12 =	sadd.s32 @!p1 s2, s12  }
0x197: {  	[tilespmem:s19], [sflag:$0x1] =	stream.linear.gather @!p1 [hbm4b:s12+s18], $0x8000, $0x38;
	[tilespmem:$0x1F400] =	vst v63  }
0x198: {  	_ =	swait.ge [sflag:s29], $0x8000  }
0x199: {  	[sflag:s29] =	ssyncset.done $0x0  }
0x19a: {  	[sflag:s29] =	ssyncadd.s32 $0xFFFF8000  }
0x19b: {  	v3 =	vld.idx.msk [tilespmem:v3+s23+$0x0], $0xffff;
	_ =	sdelay $0x4  }
0x19c: {  	(v2sf) =	vpush v3, $0x0  }
0x19d: {  	(v2sf) =	vpush v3, $0x1;
	_ =	sdelay $0xd  }
0x19e: {  	s18 =	spop (v2sf)  }
0x19f: {  	s19 =	spop (v2sf)  }
0x1a0: {  	s12 =	ssub.s32 s19, s18  }
0x1a1: {  	s12 =	sadd.s32 $0xF, s12  }
0x1a2: {  	s19 =	sand.u32 $0xF, s12  }
0x1a3: {  	p2 =	slt.s32 s12, $0x1;
	p6 =	sne.s32 s19, $0x0;
	s19 =	sshra.s32 s12, $0x1F  }
0x1a4: {  	s19 =	sshrl.u32 s19, $0x1C;
	p1 =	por !p2, !p6  }
0x1a5: {  	s12 =	sadd.s32 s19, s12;
	p1 =	por !p1, !p1;
	s19 =	simm.s32 $0x1  }
0x1a6: {  	s12 =	sshra.s32 s12, $0x4;
	s19 =	simm.s32 @!p1 $0x0  }
0x1a7: {  	s19 =	ssub.s32 s12, s19  }
0x1a8: {  	p1 =	slt.s32 s19, $0x1  }
.Ltmp12:
0x1a9: {  	_ = 	snop;
	(pc) =	sbr.rel @p1 .LBB2_18-.Ltmp12, $1  }
0x1aa: {  	_ =	sdelay $0x3  }
0x1ab: {  	p2 =	sne.s32 s19, $0x1  }
.Ltmp13:
0x1ac: {  	_ = 	snop;
	(pc) =	sbr.rel @!p2 .LBB2_14-.Ltmp13, $4  }
0x1ad: {  	_ = 	snop  }
0x1ae: {  	v5 =	vadd.s32 s18, v0  }
0x1af: {  	s12 =	sshll.u32 s17, $0xC;
	vm0 =	vlt.s32 v5, $0xFFF  }
0x1b0: {  	v3 =	vbroadcast v3, $0x1;
	s19 =	sadd.s32 $0xFFFFFFFF, s19;
	p1 =	por $0x0, $0x0;
	v4 =	vmov s12;
	v6 =	vnsel vm0, $0xFFF, v5  }
0x1b1: {  	_ =	sdelay $0x3  }
0x1b2: {  	v7 =	vld.idx.msk [tilespmem:v6+s6+$0x0], $0xffff;
	_ =	sdelay $0x4  }
0x1b3: {  	v7 =	vsub.s32 v7, v4  }
0x1b4: {  	vm0 =	vgt.s32 v7, $0x0  }
0x1b5: {  	v7 =	vnsel vm0, $0x0, v7  }
0x1b6: {  	v7 =	vmin.u32 v7, $0xFFF  }
0x1b7: {  	v6 =	vld.idx.msk [tilespmem:v6+s22+$0x0], $0xffff;
	v8 =	vshll.u32 v7, $0x3  }
0x1b8: {  	v7 =	vand.u32 $0x7F, v7;
	v8 =	vand.u32 $0x7C00, v8  }
0x1b9: {  	v7 =	vor.u32 v7, v8;
	_ =	sdelay $0x2  }
0x1ba: {  	v8 =	vshll.u32 v6, $0x3  }
0x1bb: {  	vm0 =	vlt.s32 v5, v3;
	v5 =	vand.u32 $0x7F, v6;
	v6 =	vand.u32 $0xFFFFFC00, v8  }
0x1bc: {  	v6 =	vor.u32 v5, v6;
	v8 =	vld.idx.msk [tilespmem:v7+s26+$0x0], $0xffff  }
0x1bd: {  	v5 =	vor.u32 $0x80, v7;
	_ =	sdelay $0x3  }
0x1be: {  	[tilespmem:v6+s28+$0x0] =	vst.idx.msk vm0, v8  }
0x1bf: {  	v8 =	vor.u32 $0x80, v6;
	v5 =	vld.idx.msk [tilespmem:v5+s26+$0x0], $0xffff  }
0x1c0: {  	v9 =	vor.u32 $0x100, v7;
	_ =	sdelay $0x3  }
0x1c1: {  	[tilespmem:v8+s28+$0x0] =	vst.idx.msk vm0, v5  }
0x1c2: {  	v8 =	vor.u32 $0x100, v6;
	v5 =	vld.idx.msk [tilespmem:v9+s26+$0x0], $0xffff  }
0x1c3: {  	v9 =	vor.u32 $0x180, v7;
	_ =	sdelay $0x3  }
0x1c4: {  	[tilespmem:v8+s28+$0x0] =	vst.idx.msk vm0, v5  }
0x1c5: {  	v8 =	vor.u32 $0x180, v6;
	v5 =	vld.idx.msk [tilespmem:v9+s26+$0x0], $0xffff  }
0x1c6: {  	v9 =	vor.u32 $0x200, v7;
	_ =	sdelay $0x3  }
0x1c7: {  	[tilespmem:v8+s28+$0x0] =	vst.idx.msk vm0, v5  }
0x1c8: {  	v8 =	vor.u32 $0x200, v6;
	v5 =	vld.idx.msk [tilespmem:v9+s26+$0x0], $0xffff  }
0x1c9: {  	v9 =	vor.u32 $0x280, v7;
	_ =	sdelay $0x3  }
0x1ca: {  	[tilespmem:v8+s28+$0x0] =	vst.idx.msk vm0, v5  }
0x1cb: {  	v8 =	vor.u32 $0x280, v6;
	v5 =	vld.idx.msk [tilespmem:v9+s26+$0x0], $0xffff  }
0x1cc: {  	v9 =	vor.u32 $0x300, v7;
	_ =	sdelay $0x3  }
0x1cd: {  	[tilespmem:v8+s28+$0x0] =	vst.idx.msk vm0, v5  }
0x1ce: {  	v8 =	vld.idx.msk [tilespmem:v9+s26+$0x0], $0xffff;
	v9 =	vor.u32 $0x300, v6  }
0x1cf: {  	v7 =	vor.u32 $0x380, v7;
	_ =	sdelay $0x2  }
0x1d0: {  	s17 =	sadd.s32 $0x10, s18  }
0x1d1: {  	p2 =	sne.s32 s19, $0x1;
	v5 =	vadd.s32 s17, v0;
	[tilespmem:v9+s28+$0x0] =	vst.idx.msk vm0, v8  }
.Ltmp14:
0x1d2: {  	vm1 =	vlt.s32 v5, $0xFFF;
	v8 =	vor.u32 $0x380, v6;
	v7 =	vld.idx.msk [tilespmem:v7+s26+$0x0], $0xffff;
	(pc) =	sbr.rel @!p2 .LBB2_17-.Ltmp14, $2  }
0x1d3: {  	v6 =	vnsel vm1, $0xFFF, v5;
	_ =	sdelay $0x2  }
0x1d4: {  	s18 =	sadd.s32 $0xFFFFFFFF, s19;
	p1 =	por $0x1, $0x1  }
.LBB2_16:
0x1d5: {  	p2 =	sne.s32 s18, $0x1;
	s18 =	sadd.s32 $0xFFFFFFFF, s18;
	[tilespmem:v8+s28+$0x0] =	vst.idx.msk vm0, v7  }
0x1d6: {  	v7 =	vld.idx.msk [tilespmem:v6+s6+$0x0], $0xffff;
	_ =	sdelay $0x5  }
0x1d7: {  	v7 =	vsub.s32 v7, v4  }
0x1d8: {  	vm0 =	vgt.s32 v7, $0x0  }
0x1d9: {  	v7 =	vnsel vm0, $0x0, v7  }
0x1da: {  	v7 =	vmin.u32 v7, $0xFFF  }
0x1db: {  	v8 =	vshll.u32 v7, $0x3;
	v6 =	vld.idx.msk [tilespmem:v6+s22+$0x0], $0xffff  }
0x1dc: {  	v7 =	vand.u32 $0x7F, v7;
	v8 =	vand.u32 $0x7C00, v8  }
0x1dd: {  	v7 =	vor.u32 v7, v8;
	_ =	sdelay $0x3  }
0x1de: {  	v8 =	vshll.u32 v6, $0x3  }
0x1df: {  	vm0 =	vlt.s32 v5, v3;
	v6 =	vand.u32 $0x7F, v6;
	v8 =	vand.u32 $0xFFFFFC00, v8;
	v5 =	vld.idx.msk [tilespmem:v7+s26+$0x0], $0xffff  }
0x1e0: {  	v6 =	vor.u32 v6, v8  }
0x1e1: {  	v8 =	vor.u32 $0x80, v7;
	_ =	sdelay $0x3  }
0x1e2: {  	[tilespmem:v6+s28+$0x0] =	vst.idx.msk vm0, v5  }
0x1e3: {  	v5 =	vld.idx.msk [tilespmem:v8+s26+$0x0], $0xffff  }
0x1e4: {  	v8 =	vor.u32 $0x80, v6  }
0x1e5: {  	v9 =	vor.u32 $0x100, v7;
	_ =	sdelay $0x3  }
0x1e6: {  	[tilespmem:v8+s28+$0x0] =	vst.idx.msk vm0, v5  }
0x1e7: {  	v5 =	vld.idx.msk [tilespmem:v9+s26+$0x0], $0xffff  }
0x1e8: {  	v8 =	vor.u32 $0x100, v6  }
0x1e9: {  	v9 =	vor.u32 $0x180, v7;
	_ =	sdelay $0x3  }
0x1ea: {  	[tilespmem:v8+s28+$0x0] =	vst.idx.msk vm0, v5  }
0x1eb: {  	v5 =	vld.idx.msk [tilespmem:v9+s26+$0x0], $0xffff  }
0x1ec: {  	v8 =	vor.u32 $0x180, v6  }
0x1ed: {  	v9 =	vor.u32 $0x200, v7;
	_ =	sdelay $0x3  }
0x1ee: {  	[tilespmem:v8+s28+$0x0] =	vst.idx.msk vm0, v5  }
0x1ef: {  	v5 =	vld.idx.msk [tilespmem:v9+s26+$0x0], $0xffff  }
0x1f0: {  	v8 =	vor.u32 $0x200, v6  }
0x1f1: {  	v9 =	vor.u32 $0x280, v7;
	_ =	sdelay $0x3  }
0x1f2: {  	[tilespmem:v8+s28+$0x0] =	vst.idx.msk vm0, v5  }
0x1f3: {  	v5 =	vld.idx.msk [tilespmem:v9+s26+$0x0], $0xffff  }
0x1f4: {  	v8 =	vor.u32 $0x280, v6  }
0x1f5: {  	v9 =	vor.u32 $0x300, v7;
	_ =	sdelay $0x3  }
0x1f6: {  	[tilespmem:v8+s28+$0x0] =	vst.idx.msk vm0, v5  }
0x1f7: {  	v5 =	vld.idx.msk [tilespmem:v9+s26+$0x0], $0xffff  }
0x1f8: {  	v8 =	vor.u32 $0x300, v6  }
0x1f9: {  	v7 =	vor.u32 $0x380, v7;
	_ =	sdelay $0x2  }
.Ltmp15:
0x1fa: {  	(pc) =	sbr.rel @p2 .LBB2_16-.Ltmp15, $4  }
0x1fb: {  	s17 =	sadd.s32 $0x10, s17;
	[tilespmem:v8+s28+$0x0] =	vst.idx.msk vm0, v5  }
0x1fc: {  	v5 =	vadd.s32 s17, v0;
	v7 =	vld.idx.msk [tilespmem:v7+s26+$0x0], $0xffff  }
0x1fd: {  	v8 =	vor.u32 $0x380, v6;
	vm1 =	vlt.s32 v5, $0xFFF  }
0x1fe: {  	v6 =	vnsel vm1, $0xFFF, v5  }
.Ltmp16:
0x1ff: {  	_ = 	snop;
	(pc) =	sbr.rel .LBB2_17-.Ltmp16, $1  }
0x200: {  	_ =	sdelay $0x3  }
.LBB2_8:
.Ltmp17:
0x201: {  	(pc) =	sbr.rel .LBB2_11-.Ltmp17, $2  }
0x202: {  	_ =	sdelay $0x2  }
0x203: {  	_ = 	snop  }
.LBB2_19:
0x204: {  	s3 =	sadd.s32 $0xC0000, s5  }
0x205: {  	s3 =	sshrl.u32 s3, $0x3  }
0x206: {  	s3 =	sadd.s32 s2, s3  }
0x207: {  	[tilespmem:s25], [sflag:$0x1] =	stream.linear.gather [hbm4b:s3+s6], $0x3400, $0x38;
	[tilespmem:$0x1F400] =	vst v63  }
0x208: {  	_ =	swait.ge [sflag:s20], $0x3400  }
0x209: {  	[sflag:s20] =	ssyncset.done $0x0  }
0x20a: {  	[sflag:s20] =	ssyncadd.s32 $0xFFFFCC00  }
0x20b: {  	v3 =	vld.idx.msk [tilespmem:v1+s23+$0x0], $0xffff;
	_ =	sdelay $0x4  }
0x20c: {  	(v2sf) =	vpush v3, $0x0  }
0x20d: {  	(v2sf) =	vpush v3, $0x1;
	_ =	sdelay $0xd  }
0x20e: {  	s3 =	spop (v2sf)  }
0x20f: {  	s18 =	spop (v2sf)  }
0x210: {  	s5 =	ssub.s32 s18, s3  }
0x211: {  	s5 =	sadd.s32 $0xF, s5  }
0x212: {  	s12 =	sand.u32 $0xF, s5  }
0x213: {  	s19 =	sshra.s32 s5, $0x1F;
	p2 =	slt.s32 s5, $0x1;
	p1 =	sne.s32 s12, $0x0  }
0x214: {  	s12 =	sshrl.u32 s19, $0x1C;
	p1 =	por !p2, !p1  }
0x215: {  	s5 =	sadd.s32 s12, s5;
	s12 =	simm.s32 $0x1;
	p1 =	por !p1, !p1  }
0x216: {  	s5 =	sshra.s32 s5, $0x4;
	s12 =	simm.s32 @!p1 $0x0  }
0x217: {  	s5 =	ssub.s32 s5, s12  }
0x218: {  	p1 =	slt.s32 s5, $0x1  }
.Ltmp18:
0x219: {  	_ = 	snop;
	(pc) =	sbr.rel @p1 .LBB2_25-.Ltmp18, $1  }
0x21a: {  	_ =	sdelay $0x3  }
0x21b: {  	p2 =	sne.s32 s5, $0x1  }
.Ltmp19:
0x21c: {  	_ = 	snop;
	(pc) =	sbr.rel @!p2 .LBB2_21-.Ltmp19, $4  }
0x21d: {  	_ = 	snop  }
0x21e: {  	v4 =	vadd.s32 s3, v0  }
0x21f: {  	vm0 =	vlt.s32 v4, $0xFFF  }
0x220: {  	v3 =	vbroadcast v3, $0x1;
	s5 =	sadd.s32 $0xFFFFFFFF, s5;
	p1 =	por $0x0, $0x0;
	v5 =	vnsel vm0, $0xFFF, v4  }
0x221: {  	_ =	sdelay $0x3  }
0x222: {  	v6 =	vld.idx.msk [tilespmem:v5+s6+$0x0], $0xffff;
	_ =	sdelay $0x4  }
0x223: {  	v6 =	vadd.s32 $0xFFFE8000, v6  }
0x224: {  	vm0 =	vgt.s32 v6, $0x0  }
0x225: {  	v6 =	vnsel vm0, $0x0, v6  }
0x226: {  	v6 =	vmin.u32 v6, $0x67F  }
0x227: {  	v5 =	vld.idx.msk [tilespmem:v5+s22+$0x0], $0xffff;
	v7 =	vshll.u32 v6, $0x3  }
0x228: {  	v6 =	vand.u32 $0x7F, v6;
	v7 =	vand.u32 $0x3C00, v7  }
0x229: {  	v6 =	vor.u32 v6, v7;
	_ =	sdelay $0x2  }
0x22a: {  	v7 =	vshll.u32 v5, $0x3  }
0x22b: {  	vm0 =	vlt.s32 v4, v3;
	v4 =	vand.u32 $0x7F, v5;
	v5 =	vand.u32 $0xFFFFFC00, v7  }
0x22c: {  	v5 =	vor.u32 v4, v5;
	v7 =	vld.idx.msk [tilespmem:v6+s25+$0x0], $0xffff  }
0x22d: {  	v4 =	vor.u32 $0x80, v6;
	_ =	sdelay $0x3  }
0x22e: {  	[tilespmem:v5+s28+$0x0] =	vst.idx.msk vm0, v7  }
0x22f: {  	v7 =	vor.u32 $0x80, v5;
	v4 =	vld.idx.msk [tilespmem:v4+s25+$0x0], $0xffff  }
0x230: {  	v8 =	vor.u32 $0x100, v6;
	_ =	sdelay $0x3  }
0x231: {  	[tilespmem:v7+s28+$0x0] =	vst.idx.msk vm0, v4  }
0x232: {  	v7 =	vor.u32 $0x100, v5;
	v4 =	vld.idx.msk [tilespmem:v8+s25+$0x0], $0xffff  }
0x233: {  	v8 =	vor.u32 $0x180, v6;
	_ =	sdelay $0x3  }
0x234: {  	[tilespmem:v7+s28+$0x0] =	vst.idx.msk vm0, v4  }
0x235: {  	v7 =	vor.u32 $0x180, v5;
	v4 =	vld.idx.msk [tilespmem:v8+s25+$0x0], $0xffff  }
0x236: {  	v8 =	vor.u32 $0x200, v6;
	_ =	sdelay $0x3  }
0x237: {  	[tilespmem:v7+s28+$0x0] =	vst.idx.msk vm0, v4  }
0x238: {  	v7 =	vor.u32 $0x200, v5;
	v4 =	vld.idx.msk [tilespmem:v8+s25+$0x0], $0xffff  }
0x239: {  	v8 =	vor.u32 $0x280, v6;
	_ =	sdelay $0x3  }
0x23a: {  	[tilespmem:v7+s28+$0x0] =	vst.idx.msk vm0, v4  }
0x23b: {  	v7 =	vor.u32 $0x280, v5;
	v4 =	vld.idx.msk [tilespmem:v8+s25+$0x0], $0xffff  }
0x23c: {  	v8 =	vor.u32 $0x300, v6;
	_ =	sdelay $0x3  }
0x23d: {  	[tilespmem:v7+s28+$0x0] =	vst.idx.msk vm0, v4  }
0x23e: {  	v7 =	vld.idx.msk [tilespmem:v8+s25+$0x0], $0xffff;
	v8 =	vor.u32 $0x300, v5  }
0x23f: {  	v6 =	vor.u32 $0x380, v6  }
0x240: {  	p2 =	sne.s32 s5, $0x1  }
.Ltmp20:
0x241: {  	_ = 	snop;
	(pc) =	sbr.rel @!p2 .LBB2_24-.Ltmp20, $4  }
0x242: {  	s3 =	sadd.s32 $0x10, s3  }
0x243: {  	v4 =	vadd.s32 s3, v0;
	[tilespmem:v8+s28+$0x0] =	vst.idx.msk vm0, v7  }
0x244: {  	vm1 =	vlt.s32 v4, $0xFFF;
	v7 =	vor.u32 $0x380, v5;
	v6 =	vld.idx.msk [tilespmem:v6+s25+$0x0], $0xffff  }
0x245: {  	s5 =	sadd.s32 $0xFFFFFFFF, s5;
	p1 =	por $0x1, $0x1;
	v5 =	vnsel vm1, $0xFFF, v4  }
.LBB2_23:
0x246: {  	_ =	sdelay $0x2  }
0x247: {  	p2 =	sne.s32 s5, $0x1;
	s5 =	sadd.s32 $0xFFFFFFFF, s5;
	[tilespmem:v7+s28+$0x0] =	vst.idx.msk vm0, v6  }
0x248: {  	v6 =	vld.idx.msk [tilespmem:v5+s6+$0x0], $0xffff;
	_ =	sdelay $0x5  }
0x249: {  	v6 =	vadd.s32 $0xFFFE8000, v6  }
0x24a: {  	vm0 =	vgt.s32 v6, $0x0  }
0x24b: {  	v6 =	vnsel vm0, $0x0, v6  }
0x24c: {  	v6 =	vmin.u32 v6, $0x67F  }
0x24d: {  	v7 =	vshll.u32 v6, $0x3;
	v5 =	vld.idx.msk [tilespmem:v5+s22+$0x0], $0xffff  }
0x24e: {  	v6 =	vand.u32 $0x7F, v6;
	v7 =	vand.u32 $0x3C00, v7  }
0x24f: {  	v6 =	vor.u32 v6, v7;
	_ =	sdelay $0x3  }
0x250: {  	v7 =	vshll.u32 v5, $0x3  }
0x251: {  	vm0 =	vlt.s32 v4, v3;
	v5 =	vand.u32 $0x7F, v5;
	v7 =	vand.u32 $0xFFFFFC00, v7;
	v4 =	vld.idx.msk [tilespmem:v6+s25+$0x0], $0xffff  }
0x252: {  	v5 =	vor.u32 v5, v7  }
0x253: {  	v7 =	vor.u32 $0x80, v6;
	_ =	sdelay $0x3  }
0x254: {  	[tilespmem:v5+s28+$0x0] =	vst.idx.msk vm0, v4  }
0x255: {  	v4 =	vld.idx.msk [tilespmem:v7+s25+$0x0], $0xffff  }
0x256: {  	v7 =	vor.u32 $0x80, v5  }
0x257: {  	v8 =	vor.u32 $0x100, v6;
	_ =	sdelay $0x3  }
0x258: {  	[tilespmem:v7+s28+$0x0] =	vst.idx.msk vm0, v4  }
0x259: {  	v4 =	vld.idx.msk [tilespmem:v8+s25+$0x0], $0xffff  }
0x25a: {  	v7 =	vor.u32 $0x100, v5  }
0x25b: {  	v8 =	vor.u32 $0x180, v6;
	_ =	sdelay $0x3  }
0x25c: {  	[tilespmem:v7+s28+$0x0] =	vst.idx.msk vm0, v4  }
0x25d: {  	v4 =	vld.idx.msk [tilespmem:v8+s25+$0x0], $0xffff  }
0x25e: {  	v7 =	vor.u32 $0x180, v5  }
0x25f: {  	v8 =	vor.u32 $0x200, v6;
	_ =	sdelay $0x3  }
0x260: {  	[tilespmem:v7+s28+$0x0] =	vst.idx.msk vm0, v4  }
0x261: {  	v4 =	vld.idx.msk [tilespmem:v8+s25+$0x0], $0xffff  }
0x262: {  	v7 =	vor.u32 $0x200, v5  }
0x263: {  	v8 =	vor.u32 $0x280, v6;
	_ =	sdelay $0x3  }
0x264: {  	[tilespmem:v7+s28+$0x0] =	vst.idx.msk vm0, v4  }
0x265: {  	v4 =	vld.idx.msk [tilespmem:v8+s25+$0x0], $0xffff  }
0x266: {  	v7 =	vor.u32 $0x280, v5  }
0x267: {  	v8 =	vor.u32 $0x300, v6;
	_ =	sdelay $0x3  }
0x268: {  	[tilespmem:v7+s28+$0x0] =	vst.idx.msk vm0, v4  }
0x269: {  	v4 =	vld.idx.msk [tilespmem:v8+s25+$0x0], $0xffff  }
0x26a: {  	v7 =	vor.u32 $0x300, v5  }
0x26b: {  	v6 =	vor.u32 $0x380, v6;
	_ =	sdelay $0x2  }
.Ltmp21:
0x26c: {  	(pc) =	sbr.rel @p2 .LBB2_23-.Ltmp21, $4  }
0x26d: {  	s3 =	sadd.s32 $0x10, s3;
	[tilespmem:v7+s28+$0x0] =	vst.idx.msk vm0, v4  }
0x26e: {  	v4 =	vadd.s32 s3, v0;
	v6 =	vld.idx.msk [tilespmem:v6+s25+$0x0], $0xffff  }
0x26f: {  	v7 =	vor.u32 $0x380, v5;
	vm1 =	vlt.s32 v4, $0xFFF  }
0x270: {  	v5 =	vnsel vm1, $0xFFF, v4  }
.LBB2_24:
0x271: {  	_ =	sdelay $0x4  }
0x272: {  	[tilespmem:v7+s28+$0x0] =	vst.idx.msk @p1 vm0, v6  }
0x273: {  	v6 =	vld.idx.msk [tilespmem:v5+s6+$0x0], $0xffff;
	_ =	sdelay $0x4  }
0x274: {  	v6 =	vadd.s32 $0xFFFE8000, v6  }
0x275: {  	vm14 =	vgt.s32 v6, $0x0  }
0x276: {  	v6 =	vnsel vm14, $0x0, v6  }
0x277: {  	v6 =	vmin.u32 v6, $0x67F  }
0x278: {  	v47 =	vld.idx.msk [tilespmem:v5+s22+$0x0], $0xffff;
	v48 =	vshll.u32 v6, $0x3  }
0x279: {  	v6 =	vand.u32 $0x7F, v6;
	v7 =	vand.u32 $0x3C00, v48  }
0x27a: {  	v6 =	vor.u32 v6, v7;
	_ =	sdelay $0x2  }
0x27b: {  	v49 =	vshll.u32 v47, $0x3  }
0x27c: {  	vm15 =	vlt.s32 v4, v3;
	v3 =	vand.u32 $0x7F, v47;
	v50 =	vand.u32 $0xFFFFFC00, v49  }
0x27d: {  	v3 =	vor.u32 v3, v50;
	v51 =	vld.idx.msk [tilespmem:v6+s25+$0x0], $0xffff  }
0x27e: {  	v52 =	vor.u32 $0x80, v6;
	_ =	sdelay $0x3  }
0x27f: {  	[tilespmem:v3+s28+$0x0] =	vst.idx.msk vm15, v51  }
0x280: {  	v53 =	vor.u32 $0x80, v3;
	v4 =	vld.idx.msk [tilespmem:v52+s25+$0x0], $0xffff  }
0x281: {  	v54 =	vor.u32 $0x100, v6;
	_ =	sdelay $0x3  }
0x282: {  	[tilespmem:v53+s28+$0x0] =	vst.idx.msk vm15, v4  }
0x283: {  	v55 =	vor.u32 $0x100, v3;
	v4 =	vld.idx.msk [tilespmem:v54+s25+$0x0], $0xffff  }
0x284: {  	v56 =	vor.u32 $0x180, v6;
	_ =	sdelay $0x3  }
0x285: {  	[tilespmem:v55+s28+$0x0] =	vst.idx.msk vm15, v4  }
0x286: {  	v57 =	vor.u32 $0x180, v3;
	v4 =	vld.idx.msk [tilespmem:v56+s25+$0x0], $0xffff  }
0x287: {  	v58 =	vor.u32 $0x200, v6;
	_ =	sdelay $0x3  }
0x288: {  	[tilespmem:v57+s28+$0x0] =	vst.idx.msk vm15, v4  }
0x289: {  	v59 =	vor.u32 $0x200, v3;
	v4 =	vld.idx.msk [tilespmem:v58+s25+$0x0], $0xffff  }
0x28a: {  	v60 =	vor.u32 $0x280, v6;
	_ =	sdelay $0x3  }
0x28b: {  	[tilespmem:v59+s28+$0x0] =	vst.idx.msk vm15, v4  }
0x28c: {  	v61 =	vor.u32 $0x280, v3;
	v4 =	vld.idx.msk [tilespmem:v60+s25+$0x0], $0xffff  }
0x28d: {  	v62 =	vor.u32 $0x300, v6;
	_ =	sdelay $0x3  }
0x28e: {  	[tilespmem:v61+s28+$0x0] =	vst.idx.msk vm15, v4  }
0x28f: {  	v63 =	vor.u32 $0x300, v3;
	v4 =	vld.idx.msk [tilespmem:v62+s25+$0x0], $0xffff  }
0x290: {  	v6 =	vor.u32 $0x380, v6;
	_ =	sdelay $0x3  }
0x291: {  	[tilespmem:v63+s28+$0x0] =	vst.idx.msk vm15, v4  }
0x292: {  	v3 =	vor.u32 $0x380, v3;
	v4 =	vld.idx.msk [tilespmem:v6+s25+$0x0], $0xffff;
	_ =	sdelay $0x4  }
0x293: {  	[tilespmem:v3+s28+$0x0] =	vst.idx.msk vm15, v4  }
.LBB2_25:
0x294: {  	_ =	sdelay $0x3  }
0x295: {  	v3 =	vld.idx.msk [tilespmem:v2+s23+$0x0], $0xffff;
	_ =	sdelay $0x4  }
0x296: {  	(v2sf) =	vpush v3, $0x0  }
0x297: {  	(v2sf) =	vpush v3, $0x1;
	_ =	sdelay $0xd  }
0x298: {  	s3 =	spop (v2sf)  }
0x299: {  	s5 =	spop (v2sf)  }
0x29a: {  	s5 =	ssub.s32 s5, s3  }
0x29b: {  	s5 =	sadd.s32 $0xF, s5  }
0x29c: {  	s12 =	sand.u32 $0xF, s5  }
0x29d: {  	s19 =	sshra.s32 s5, $0x1F;
	p2 =	slt.s32 s5, $0x1;
	p1 =	sne.s32 s12, $0x0  }
0x29e: {  	s12 =	sshrl.u32 s19, $0x1C;
	p1 =	por !p2, !p1  }
0x29f: {  	s5 =	sadd.s32 s12, s5;
	s12 =	simm.s32 $0x1;
	p1 =	por !p1, !p1  }
0x2a0: {  	s5 =	sshra.s32 s5, $0x4;
	s12 =	simm.s32 @!p1 $0x0  }
0x2a1: {  	s5 =	ssub.s32 s5, s12  }
0x2a2: {  	p1 =	slt.s32 s5, $0x1  }
.Ltmp22:
0x2a3: {  	_ = 	snop;
	(pc) =	sbr.rel @p1 .LBB2_31-.Ltmp22, $1  }
0x2a4: {  	_ =	sdelay $0x3  }
0x2a5: {  	p2 =	sne.s32 s5, $0x1  }
.Ltmp23:
0x2a6: {  	_ = 	snop;
	(pc) =	sbr.rel @!p2 .LBB2_27-.Ltmp23, $4  }
0x2a7: {  	_ = 	snop  }
0x2a8: {  	v4 =	vadd.s32 s3, v0  }
0x2a9: {  	vm0 =	vlt.s32 v4, $0xFFF  }
0x2aa: {  	v3 =	vbroadcast v3, $0x1;
	s5 =	sadd.s32 $0xFFFFFFFF, s5;
	p1 =	por $0x0, $0x0;
	v5 =	vnsel vm0, $0xFFF, v4  }
0x2ab: {  	_ =	sdelay $0x3  }
0x2ac: {  	v6 =	vld.idx.msk [tilespmem:v5+s6+$0x0], $0xffff;
	_ =	sdelay $0x4  }
0x2ad: {  	v6 =	vadd.s32 $0xFFFE7980, v6  }
0x2ae: {  	v5 =	vld.idx.msk [tilespmem:v5+s22+$0x0], $0xffff;
	vm0 =	vgt.s32 v6, $0x0  }
0x2af: {  	v6 =	vnsel vm0, $0x0, v6  }
0x2b0: {  	v6 =	vmin.u32 v6, $0x1F;
	_ =	sdelay $0x2  }
0x2b1: {  	v7 =	vshll.u32 v5, $0x3  }
0x2b2: {  	vm0 =	vlt.s32 v4, v3;
	v4 =	vand.u32 $0x7F, v5;
	v5 =	vand.u32 $0xFFFFFC00, v7  }
0x2b3: {  	v5 =	vor.u32 v4, v5;
	v7 =	vld.idx.msk [tilespmem:v6+s24+$0x0], $0xffff  }
0x2b4: {  	v4 =	vor.u32 $0x80, v6;
	_ =	sdelay $0x3  }
0x2b5: {  	[tilespmem:v5+s28+$0x0] =	vst.idx.msk vm0, v7  }
0x2b6: {  	v7 =	vor.u32 $0x80, v5;
	v4 =	vld.idx.msk [tilespmem:v4+s24+$0x0], $0xffff  }
0x2b7: {  	v8 =	vor.u32 $0x100, v6;
	_ =	sdelay $0x3  }
0x2b8: {  	[tilespmem:v7+s28+$0x0] =	vst.idx.msk vm0, v4  }
0x2b9: {  	v7 =	vor.u32 $0x100, v5;
	v4 =	vld.idx.msk [tilespmem:v8+s24+$0x0], $0xffff  }
0x2ba: {  	v8 =	vor.u32 $0x180, v6;
	_ =	sdelay $0x3  }
0x2bb: {  	[tilespmem:v7+s28+$0x0] =	vst.idx.msk vm0, v4  }
0x2bc: {  	v7 =	vor.u32 $0x180, v5;
	v4 =	vld.idx.msk [tilespmem:v8+s24+$0x0], $0xffff  }
0x2bd: {  	v8 =	vor.u32 $0x200, v6;
	_ =	sdelay $0x3  }
0x2be: {  	[tilespmem:v7+s28+$0x0] =	vst.idx.msk vm0, v4  }
0x2bf: {  	v7 =	vor.u32 $0x200, v5;
	v4 =	vld.idx.msk [tilespmem:v8+s24+$0x0], $0xffff  }
0x2c0: {  	v8 =	vor.u32 $0x280, v6;
	_ =	sdelay $0x3  }
0x2c1: {  	[tilespmem:v7+s28+$0x0] =	vst.idx.msk vm0, v4  }
0x2c2: {  	v7 =	vor.u32 $0x280, v5;
	v4 =	vld.idx.msk [tilespmem:v8+s24+$0x0], $0xffff  }
0x2c3: {  	v8 =	vor.u32 $0x300, v6;
	_ =	sdelay $0x3  }
0x2c4: {  	[tilespmem:v7+s28+$0x0] =	vst.idx.msk vm0, v4  }
0x2c5: {  	v7 =	vld.idx.msk [tilespmem:v8+s24+$0x0], $0xffff;
	v8 =	vor.u32 $0x300, v5  }
0x2c6: {  	v6 =	vor.u32 $0x380, v6;
	_ =	sdelay $0x2  }
0x2c7: {  	s3 =	sadd.s32 $0x10, s3  }
0x2c8: {  	p2 =	sne.s32 s5, $0x1;
	v4 =	vadd.s32 s3, v0;
	[tilespmem:v8+s28+$0x0] =	vst.idx.msk vm0, v7  }
.Ltmp24:
0x2c9: {  	vm1 =	vlt.s32 v4, $0xFFF;
	v7 =	vor.u32 $0x380, v5;
	v6 =	vld.idx.msk [tilespmem:v6+s24+$0x0], $0xffff;
	(pc) =	sbr.rel @!p2 .LBB2_30-.Ltmp24, $2  }
0x2ca: {  	v5 =	vnsel vm1, $0xFFF, v4;
	_ =	sdelay $0x2  }
0x2cb: {  	s5 =	sadd.s32 $0xFFFFFFFF, s5;
	p1 =	por $0x1, $0x1  }
.LBB2_29:
0x2cc: {  	p2 =	sne.s32 s5, $0x1;
	s5 =	sadd.s32 $0xFFFFFFFF, s5;
	[tilespmem:v7+s28+$0x0] =	vst.idx.msk vm0, v6  }
0x2cd: {  	v6 =	vld.idx.msk [tilespmem:v5+s6+$0x0], $0xffff;
	_ =	sdelay $0x5  }
0x2ce: {  	v6 =	vadd.s32 $0xFFFE7980, v6  }
0x2cf: {  	vm0 =	vgt.s32 v6, $0x0;
	v5 =	vld.idx.msk [tilespmem:v5+s22+$0x0], $0xffff  }
0x2d0: {  	v6 =	vnsel vm0, $0x0, v6  }
0x2d1: {  	v6 =	vmin.u32 v6, $0x1F;
	_ =	sdelay $0x3  }
0x2d2: {  	v7 =	vshll.u32 v5, $0x3  }
0x2d3: {  	vm0 =	vlt.s32 v4, v3;
	v5 =	vand.u32 $0x7F, v5;
	v7 =	vand.u32 $0xFFFFFC00, v7;
	v4 =	vld.idx.msk [tilespmem:v6+s24+$0x0], $0xffff  }
0x2d4: {  	v5 =	vor.u32 v5, v7  }
0x2d5: {  	v7 =	vor.u32 $0x80, v6;
	_ =	sdelay $0x3  }
0x2d6: {  	[tilespmem:v5+s28+$0x0] =	vst.idx.msk vm0, v4  }
0x2d7: {  	v4 =	vld.idx.msk [tilespmem:v7+s24+$0x0], $0xffff  }
0x2d8: {  	v7 =	vor.u32 $0x80, v5  }
0x2d9: {  	v8 =	vor.u32 $0x100, v6;
	_ =	sdelay $0x3  }
0x2da: {  	[tilespmem:v7+s28+$0x0] =	vst.idx.msk vm0, v4  }
0x2db: {  	v4 =	vld.idx.msk [tilespmem:v8+s24+$0x0], $0xffff  }
0x2dc: {  	v7 =	vor.u32 $0x100, v5  }
0x2dd: {  	v8 =	vor.u32 $0x180, v6;
	_ =	sdelay $0x3  }
0x2de: {  	[tilespmem:v7+s28+$0x0] =	vst.idx.msk vm0, v4  }
0x2df: {  	v4 =	vld.idx.msk [tilespmem:v8+s24+$0x0], $0xffff  }
0x2e0: {  	v7 =	vor.u32 $0x180, v5  }
0x2e1: {  	v8 =	vor.u32 $0x200, v6;
	_ =	sdelay $0x3  }
0x2e2: {  	[tilespmem:v7+s28+$0x0] =	vst.idx.msk vm0, v4  }
0x2e3: {  	v4 =	vld.idx.msk [tilespmem:v8+s24+$0x0], $0xffff  }
0x2e4: {  	v7 =	vor.u32 $0x200, v5  }
0x2e5: {  	v8 =	vor.u32 $0x280, v6;
	_ =	sdelay $0x3  }
0x2e6: {  	[tilespmem:v7+s28+$0x0] =	vst.idx.msk vm0, v4  }
0x2e7: {  	v4 =	vld.idx.msk [tilespmem:v8+s24+$0x0], $0xffff  }
0x2e8: {  	v7 =	vor.u32 $0x280, v5  }
0x2e9: {  	v8 =	vor.u32 $0x300, v6;
	_ =	sdelay $0x3  }
0x2ea: {  	[tilespmem:v7+s28+$0x0] =	vst.idx.msk vm0, v4  }
0x2eb: {  	v4 =	vld.idx.msk [tilespmem:v8+s24+$0x0], $0xffff  }
0x2ec: {  	v7 =	vor.u32 $0x300, v5  }
0x2ed: {  	v6 =	vor.u32 $0x380, v6;
	_ =	sdelay $0x2  }
.Ltmp25:
0x2ee: {  	(pc) =	sbr.rel @p2 .LBB2_29-.Ltmp25, $4  }
0x2ef: {  	s3 =	sadd.s32 $0x10, s3;
	[tilespmem:v7+s28+$0x0] =	vst.idx.msk vm0, v4  }
0x2f0: {  	v4 =	vadd.s32 s3, v0;
	v6 =	vld.idx.msk [tilespmem:v6+s24+$0x0], $0xffff  }
0x2f1: {  	v7 =	vor.u32 $0x380, v5;
	vm1 =	vlt.s32 v4, $0xFFF  }
0x2f2: {  	v5 =	vnsel vm1, $0xFFF, v4  }
.Ltmp26:
0x2f3: {  	_ = 	snop;
	(pc) =	sbr.rel .LBB2_30-.Ltmp26, $1  }
0x2f4: {  	_ =	sdelay $0x3  }
.LBB2_21:
.Ltmp27:
0x2f5: {  	(pc) =	sbr.rel .LBB2_24-.Ltmp27, $2  }
0x2f6: {  	_ =	sdelay $0x2  }
0x2f7: {  	_ = 	snop  }
.LBB2_34:
0x2f8: {  	_ =	sfence.sel $0x180000  }
0x2f9: {  	[bflag:$0x0] =	sbarrier.arrive $0xFFFF  }
0x2fa: {  	_ =	strace $0x90000047  }
0x2fb: {  	s0 =	stileid.u32;
	[bflag:$0x2] =	sbarrier.arrive $0xFFFF  }
0x2fc: {  	p0 =	sne.s32 s0, $0x0;
	s0 =	rddreg [dreg:$0x5]  }
0x2fd: {  	s0 =	sadd.s32 @!p0 $0x100000, s0  }
0x2fe: {  	[sflag:s0] =	ssyncadd.tile.s32 @!p0 $0x1;
	_ =	shalt  }
.Lfunc_end2:
_tile_overlayer_lowered:
.L_overlay_start_2:
0x2ff: {  	(tag) =	ssettag $0x2  }
0x300: {  	s0 =	rddreg [dreg:$0x0];
	s2 =	stileid.u32  }
0x301: {  	s1 =	rddreg [dreg:$0x1];
	p0 =	sne.s32 s2, $0x0  }
0x302: {  	s3 =	rddreg [dreg:$0x2];
	[bflag:$0x3] =	sbarrier.arrive $0xFFFF;
	s2 =	simm.s32 @!p0 $0x1C03  }
0x303: {  	[timem:s3], [sflag:s2] =	dma.local @!p0 [hbm:s0], s1  }
0x304: {  	s0 =	simm.s32 @!p0 $0x3  }
0x305: {  	_ =	swait.ge @!p0 [sflag:s0], s1  }
0x306: {  	s1 =	ssub.s32 @!p0 $0x0, s1;
	[sflag:s0] =	ssyncset.done @!p0 $0x0  }
0x307: {  	[sflag:s0] =	ssyncadd.s32 @!p0 s1  }
0x308: {  	[bflag:$0x3] =	sbarrier.arrive $0xFFFF  }
0x309: {  	_ =	shalt  }

</sc_bundles>
